<compile_context>
chip_gen: v7x
topology: tpu7x:2x2x1
jax: 0.10.2.dev20260603
libtpu: 0.0.44.dev20260713+nightly
codegen_flags: <defaults>
</compile_context>

<pallas_src>
import jax
import jax.numpy as jnp
from jax import lax
from jax.experimental import pallas as pl
from jax.experimental.pallas import tpu as pltpu
from jax.experimental.pallas import tpu_sc as plsc

N_NODES = 10000
N_FEATS = 128
N_EDGES = 320000

NC = 2
NS = 16
NW = NC * NS

EDGES_PER_W = N_EDGES // NW
CHUNK = 80
NCHUNKS = EDGES_PER_W // CHUNK
NBUF = 3
UNPACK_AHEAD = 4
RING = 8

ROWS_PER_TILE = 632
N_PAD = NS * ROWS_PER_TILE


def _sc_aggregate_body(hn, pidx_hbm, out, acc, pidx, sring, dring,
                       rows0, rows1, rows2, sg0, sg1, sg2):
    cid = lax.axis_index("c")
    sid = lax.axis_index("s")
    wid = sid * NC + cid

    pltpu.sync_copy(pidx_hbm.at[wid], pidx)

    rows_bufs = (rows0, rows1, rows2)
    sems = (sg0, sg1, sg2)
    mask = jnp.full((16,), 0xFFFF, jnp.int32)
    sixteen = jnp.full((16,), 16, jnp.int32)

    def unpack(c, slot):
        for v in range(CHUNK // 16):
            p = pidx[c, pl.ds(v * 16, 16)]
            sring[slot, pl.ds(v * 16, 16)] = p & mask
            dring[slot, pl.ds(v * 16, 16)] = lax.shift_right_logical(p, sixteen)

    for c in range(UNPACK_AHEAD):
        unpack(c, c)
    for b in range(1, NBUF):
        pltpu.async_copy(hn.at[sring.at[b]], rows_bufs[b], sems[b])

    zeros16 = jnp.zeros((16,), jnp.float32)

    def zrow(r, carry):
        for c8 in range(N_FEATS // 16):
            rows0[r, pl.ds(c8 * 16, 16)] = zeros16
        return carry

    lax.fori_loop(0, CHUNK, zrow, 0)
    base = sid * ROWS_PER_TILE
    for k in range(ROWS_PER_TILE // CHUNK):
        pltpu.sync_copy(rows0, acc.at[pl.ds(base + k * CHUNK, CHUNK)])
    rem = ROWS_PER_TILE % CHUNK
    pltpu.sync_copy(rows0.at[pl.ds(0, rem)],
                    acc.at[pl.ds(base + ROWS_PER_TILE - rem, rem)])
    pltpu.async_copy(hn.at[sring.at[0]], rows_bufs[0], sems[0])
    plsc.subcore_barrier()


    def group(p, carry):
        for b in range(NBUF):
            j = p * NBUF + b
            pltpu.make_async_copy(hn.at[sring.at[0]], rows_bufs[b], sems[b]).wait()
            pltpu.sync_copy(rows_bufs[b], acc.at[dring.at[j & (RING - 1)]], add=True)

            @pl.when(j < NCHUNKS - UNPACK_AHEAD)
            def _():
                unpack(j + UNPACK_AHEAD, (j + UNPACK_AHEAD) & (RING - 1))

            @pl.when(j < NCHUNKS - NBUF)
            def _():
                pltpu.async_copy(hn.at[sring.at[(j + NBUF) & (RING - 1)]],
                                 rows_bufs[b], sems[b])
        return carry

    lax.fori_loop(0, NCHUNKS // NBUF, group, 0)
    for j in range(NBUF * (NCHUNKS // NBUF), NCHUNKS):
        b = j % NBUF
        pltpu.make_async_copy(hn.at[sring.at[0]], rows_bufs[b], sems[b]).wait()
        pltpu.sync_copy(rows_bufs[b], acc.at[dring.at[j & (RING - 1)]], add=True)
    plsc.subcore_barrier()

    pltpu.sync_copy(acc.at[pl.ds(base, ROWS_PER_TILE)],
                    out.at[cid, pl.ds(base, ROWS_PER_TILE)])


def _make_sc_aggregate(interpret=False):
    return pl.kernel(
        _sc_aggregate_body,
        out_type=jax.ShapeDtypeStruct((NC, N_PAD, N_FEATS), jnp.float32),
        mesh=plsc.VectorSubcoreMesh(core_axis_name="c", subcore_axis_name="s",
                                    num_cores=NC, num_subcores=NS),
        scratch_types=[
            pltpu.VMEM_SHARED((N_PAD, N_FEATS), jnp.float32),
            pltpu.VMEM((NCHUNKS, CHUNK), jnp.int32),
            pltpu.VMEM((RING, CHUNK), jnp.int32),
            pltpu.VMEM((RING, CHUNK), jnp.int32),
            pltpu.VMEM((CHUNK, N_FEATS), jnp.float32),
            pltpu.VMEM((CHUNK, N_FEATS), jnp.float32),
            pltpu.VMEM((CHUNK, N_FEATS), jnp.float32),
            pltpu.SemaphoreType.DMA,
            pltpu.SemaphoreType.DMA,
            pltpu.SemaphoreType.DMA,
        ],
        interpret=interpret,
    )


def _scale_body(h_ref, n_ref, o_ref):
    o_ref[...] = h_ref[...] * n_ref[...]


def _final_body(p_ref, n_ref, w_ref, b_ref, o_ref):
    x = (p_ref[0] + p_ref[1]) * n_ref[...]
    o_ref[...] = jnp.dot(x, w_ref[...], preferred_element_type=jnp.float32) + b_ref[...]


_BLK = 2000


def _tc_scale(h, norm2, interpret=False):
    return pl.pallas_call(
        _scale_body,
        grid=(N_NODES // _BLK,),
        in_specs=[
            pl.BlockSpec((_BLK, N_FEATS), lambda i: (i, 0)),
            pl.BlockSpec((_BLK, 1), lambda i: (i, 0)),
        ],
        out_specs=pl.BlockSpec((_BLK, N_FEATS), lambda i: (i, 0)),
        out_shape=jax.ShapeDtypeStruct((N_NODES, N_FEATS), jnp.float32),
        interpret=interpret,
    )(h, norm2)


def _tc_final(parts, norm2, W, b2, interpret=False):
    return pl.pallas_call(
        _final_body,
        grid=(N_NODES // _BLK,),
        in_specs=[
            pl.BlockSpec((NC, _BLK, N_FEATS), lambda i: (0, i, 0)),
            pl.BlockSpec((_BLK, 1), lambda i: (i, 0)),
            pl.BlockSpec((N_FEATS, N_FEATS), lambda i: (0, 0)),
            pl.BlockSpec((1, N_FEATS), lambda i: (0, 0)),
        ],
        out_specs=pl.BlockSpec((_BLK, N_FEATS), lambda i: (i, 0)),
        out_shape=jax.ShapeDtypeStruct((N_NODES, N_FEATS), jnp.float32),
        interpret=interpret,
    )(parts, norm2, W, b2)


def _gcn(h, edge_index, norm, W, b, interpret=False):
    e32 = edge_index.astype(jnp.int32)
    weights = jnp.array([[1], [65536]], jnp.int32)
    packed = (e32 * weights).sum(axis=0).reshape(NW, NCHUNKS, CHUNK)
    norm2 = norm.reshape(N_NODES, 1)
    b2 = b.reshape(1, N_FEATS)

    hn = _tc_scale(h, norm2, interpret=interpret)
    parts = _make_sc_aggregate(interpret=interpret)(hn, packed)
    return _tc_final(parts, norm2, W, b2, interpret=interpret)


def kernel(h, edge_index, norm, W, b):
    return _gcn(h, edge_index, norm, W, b)

# --- scband reference (transcript-rebuilt; emitter-appended) ---
"""Pipeline reference for scband-gcnlayer-4707284156746 (READ-ONLY COPY).

The authoritative reference and input builder live on the scoring server;
editing this copy changes nothing except your own understanding.
"""

import jax, jax.numpy as jnp
import numpy as np
import math

N_NODES = 10000
N_EDGES = 320000
IN_FEATS = 128
OUT_FEATS = 128

def setup_inputs(seed: int = 0) -> dict:
    key = jax.random.key(seed)
    k1, k2, k3, k4, k5 = jax.random.split(key, 5)
    h = jax.random.normal(k1, (N_NODES, IN_FEATS), dtype=jnp.float32)
    edge_index = jax.random.randint(k2, (2, N_EDGES), 0, N_NODES, dtype=jnp.int64)
    norm = jax.random.uniform(k3, (N_NODES,), dtype=jnp.float32)
    stdv = 1.0 / math.sqrt(OUT_FEATS)
    W = jax.random.uniform(k4, (IN_FEATS, OUT_FEATS), dtype=jnp.float32, minval=-stdv, maxval=stdv)
    b = jax.random.uniform(k5, (OUT_FEATS,), dtype=jnp.float32, minval=-stdv, maxval=stdv)
    return {"h": h, "edge_index": edge_index, "norm": norm, "W": W, "b": b}

def reference(h, edge_index, norm, W, b):
    # dropout=0.0 -> identity; activation=None -> identity
    h = jnp.dot(h, W)                      # linear transform
    h = h * norm[:, None]                  # pre-normalize by node norm
    src = edge_index[0]
    dst = edge_index[1]
    msg = jnp.take(h, src, axis=0)         # copy_src: gather source features
    h = jax.ops.segment_sum(msg, dst, num_segments=N_NODES)  # fn.sum aggregation
    h = h * norm[:, None]                  # post-normalize
    h = h + b                              # bias
    return h

if __name__ == "__main__":
    import jax
    _d = setup_inputs()
    print(jax.jit(kernel)(*tuple(_d.values())))

</pallas_src>

<mosaic_0001>
#map = affine_map<(d0, d1) -> (0, 0)>
#map1 = affine_map<(d0, d1) -> (0, 0, 0)>
module attributes {stable_mosaic.version = 14 : i64} {
  func.func @_sc_aggregate_body(%arg0: i32, %arg1: i32, %arg2: memref<10000x128xf32, #tpu.memory_space<hbm>>, %arg3: memref<32x125x80xi32, #tpu.memory_space<hbm>>, %arg4: memref<2x10112x128xf32, #tpu.memory_space<hbm>>, %arg5: memref<10112x128xf32, #tpu.memory_space<vmem_shared>>, %arg6: memref<125x80xi32, #tpu.memory_space<vmem>>, %arg7: memref<8x80xi32, #tpu.memory_space<vmem>>, %arg8: memref<8x80xi32, #tpu.memory_space<vmem>>, %arg9: memref<80x128xf32, #tpu.memory_space<vmem>>, %arg10: memref<80x128xf32, #tpu.memory_space<vmem>>, %arg11: memref<80x128xf32, #tpu.memory_space<vmem>>, %arg12: memref<!tpu.dma_semaphore, #tpu.memory_space<semaphore_mem>>, %arg13: memref<!tpu.dma_semaphore, #tpu.memory_space<semaphore_mem>>, %arg14: memref<!tpu.dma_semaphore, #tpu.memory_space<semaphore_mem>>) attributes {dimension_semantics = [#tpu.dimension_semantics<core_parallel>, #tpu.dimension_semantics<subcore_parallel>], iteration_bounds = array<i64: 2, 16>, scalar_prefetch = 0 : i64, scratch_operands = 10 : i64, tpu.core_type = #tpu.core_type<sc_vector_subcore>, window_params = [{transform_indices = #map}, {transform_indices = #map1}, {transform_indices = #map1}]} {
    %mul3A = arith.constant 2 : i32
    %mul3A_0 = arith.muli %arg1, %mul3A : i32
    %add3A = arith.addi %mul3A_0, %arg0 : i32
    "tpu.region"() ({
      %run_scoped3A_447 = tpu.sem_alloc : memref<!tpu.dma_semaphore, #tpu.memory_space<semaphore_mem>>
      %dma_start3A_448 = arith.constant 0 : i32
      %dma_start3A_449 = arith.constant 0 : i32
      %dma_start3A_450 = tpu.memref_slice %arg3[%add3A, %dma_start3A_448, %dma_start3A_449] : memref<32x125x80xi32, #tpu.memory_space<hbm>> -> memref<1x125x80xi32, #tpu.memory_space<hbm>>
      %dma_start3A_451 = tpu.memref_squeeze %dma_start3A_450 : memref<1x125x80xi32, #tpu.memory_space<hbm>> -> memref<125x80xi32, #tpu.memory_space<hbm>>
      %dma_start3A_452 = arith.constant 0 : i32
      %dma_start3A_453 = arith.constant 0 : i32
      %dma_start3A_454 = tpu.memref_slice %arg3[%add3A, %dma_start3A_452, %dma_start3A_453] : memref<32x125x80xi32, #tpu.memory_space<hbm>> -> memref<1x125x80xi32, #tpu.memory_space<hbm>>
      %dma_start3A_455 = tpu.memref_squeeze %dma_start3A_454 : memref<1x125x80xi32, #tpu.memory_space<hbm>> -> memref<125x80xi32, #tpu.memory_space<hbm>>
      tpu.enqueue_dma source(%dma_start3A_455 : memref<125x80xi32, #tpu.memory_space<hbm>>) target(%arg6 : memref<125x80xi32, #tpu.memory_space<vmem>>) target_semaphore(%run_scoped3A_447 : memref<!tpu.dma_semaphore, #tpu.memory_space<semaphore_mem>>)
      %dma_wait3A_456 = arith.constant 0 : i32
      %dma_wait3A_457 = arith.constant 0 : i32
      %dma_wait3A_458 = tpu.memref_slice %arg3[%add3A, %dma_wait3A_456, %dma_wait3A_457] : memref<32x125x80xi32, #tpu.memory_space<hbm>> -> memref<1x125x80xi32, #tpu.memory_space<hbm>>
      %dma_wait3A_459 = tpu.memref_squeeze %dma_wait3A_458 : memref<1x125x80xi32, #tpu.memory_space<hbm>> -> memref<125x80xi32, #tpu.memory_space<hbm>>
      %dma_wait3A_460 = arith.constant 0 : i32
      %dma_wait3A_461 = arith.constant 0 : i32
      %dma_wait3A_462 = tpu.memref_slice %arg3[%add3A, %dma_wait3A_460, %dma_wait3A_461] : memref<32x125x80xi32, #tpu.memory_space<hbm>> -> memref<1x125x80xi32, #tpu.memory_space<hbm>>
      %dma_wait3A_463 = tpu.memref_squeeze %dma_wait3A_462 : memref<1x125x80xi32, #tpu.memory_space<hbm>> -> memref<125x80xi32, #tpu.memory_space<hbm>>
      tpu.wait_dma2 semaphore(%run_scoped3A_447 : memref<!tpu.dma_semaphore, #tpu.memory_space<semaphore_mem>>) src(%dma_wait3A_463 : memref<125x80xi32, #tpu.memory_space<hbm>>) dst(%arg6 : memref<125x80xi32, #tpu.memory_space<vmem>>)
      tpu.yield
    }) : () -> ()
    %broadcast_in_dim3A = arith.constant 65535 : i32
    %broadcast_in_dim3A_1 = vector.broadcast %broadcast_in_dim3A : i32 to vector<16xi32>
    %broadcast_in_dim3A_2 = arith.constant 16 : i32
    %broadcast_in_dim3A_3 = vector.broadcast %broadcast_in_dim3A_2 : i32 to vector<16xi32>
    %get3A = arith.constant 0 : i32
    %get3A_4 = arith.index_cast %get3A : i32 to index
    %get3A_5 = arith.constant 0 : index
    %get3A_6 = tpu.vector_load %arg6[%get3A_4, %get3A_5] {strides = array<i32>} : memref<125x80xi32, #tpu.memory_space<vmem>>, vector<1x16xi32>,
    %get3A_7 = vector.shape_cast %get3A_6 : vector<1x16xi32> to vector<16xi32>
    %and3A = arith.andi %get3A_7, %broadcast_in_dim3A_1 : vector<16xi32>
    %swap3A = arith.constant 0 : i32
    %swap3A_8 = arith.index_cast %swap3A : i32 to index
    %swap3A_9 = arith.constant 0 : index
    %swap3A_10 = tpu.vector_load %arg7[%swap3A_8, %swap3A_9] {strides = array<i32>} : memref<8x80xi32, #tpu.memory_space<vmem>>, vector<1x16xi32>,
    %swap3A_11 = vector.shape_cast %swap3A_10 : vector<1x16xi32> to vector<16xi32>
    %swap3A_12 = vector.shape_cast %and3A : vector<16xi32> to vector<1x16xi32>
    tpu.vector_store %arg7[%swap3A_8, %swap3A_9], %swap3A_12 {strides = array<i32>} : memref<8x80xi32, #tpu.memory_space<vmem>>, vector<1x16xi32>,
    %shift_right_logical3A = arith.shrui %get3A_7, %broadcast_in_dim3A_3 : vector<16xi32>
    %swap3A_13 = arith.constant 0 : i32
    %swap3A_14 = arith.index_cast %swap3A_13 : i32 to index
    %swap3A_15 = arith.constant 0 : index
    %swap3A_16 = tpu.vector_load %arg8[%swap3A_14, %swap3A_15] {strides = array<i32>} : memref<8x80xi32, #tpu.memory_space<vmem>>, vector<1x16xi32>,
    %swap3A_17 = vector.shape_cast %swap3A_16 : vector<1x16xi32> to vector<16xi32>
    %swap3A_18 = vector.shape_cast %shift_right_logical3A : vector<16xi32> to vector<1x16xi32>
    tpu.vector_store %arg8[%swap3A_14, %swap3A_15], %swap3A_18 {strides = array<i32>} : memref<8x80xi32, #tpu.memory_space<vmem>>, vector<1x16xi32>,
    %get3A_19 = arith.constant 0 : i32
    %get3A_20 = arith.index_cast %get3A_19 : i32 to index
    %get3A_21 = arith.constant 16 : index
    %get3A_22 = tpu.vector_load %arg6[%get3A_20, %get3A_21] {strides = array<i32>} : memref<125x80xi32, #tpu.memory_space<vmem>>, vector<1x16xi32>,
    %get3A_23 = vector.shape_cast %get3A_22 : vector<1x16xi32> to vector<16xi32>
    %and3A_24 = arith.andi %get3A_23, %broadcast_in_dim3A_1 : vector<16xi32>
    %swap3A_25 = arith.constant 0 : i32
    %swap3A_26 = arith.index_cast %swap3A_25 : i32 to index
    %swap3A_27 = arith.constant 16 : index
    %swap3A_28 = tpu.vector_load %arg7[%swap3A_26, %swap3A_27] {strides = array<i32>} : memref<8x80xi32, #tpu.memory_space<vmem>>, vector<1x16xi32>,
    %swap3A_29 = vector.shape_cast %swap3A_28 : vector<1x16xi32> to vector<16xi32>
    %swap3A_30 = vector.shape_cast %and3A_24 : vector<16xi32> to vector<1x16xi32>
    tpu.vector_store %arg7[%swap3A_26, %swap3A_27], %swap3A_30 {strides = array<i32>} : memref<8x80xi32, #tpu.memory_space<vmem>>, vector<1x16xi32>,
    %shift_right_logical3A_31 = arith.shrui %get3A_23, %broadcast_in_dim3A_3 : vector<16xi32>
    %swap3A_32 = arith.constant 0 : i32
    %swap3A_33 = arith.index_cast %swap3A_32 : i32 to index
    %swap3A_34 = arith.constant 16 : index
    %swap3A_35 = tpu.vector_load %arg8[%swap3A_33, %swap3A_34] {strides = array<i32>} : memref<8x80xi32, #tpu.memory_space<vmem>>, vector<1x16xi32>,
    %swap3A_36 = vector.shape_cast %swap3A_35 : vector<1x16xi32> to vector<16xi32>
    %swap3A_37 = vector.shape_cast %shift_right_logical3A_31 : vector<16xi32> to vector<1x16xi32>
    tpu.vector_store %arg8[%swap3A_33, %swap3A_34], %swap3A_37 {strides = array<i32>} : memref<8x80xi32, #tpu.memory_space<vmem>>, vector<1x16xi32>,
    %get3A_38 = arith.constant 0 : i32
    %get3A_39 = arith.index_cast %get3A_38 : i32 to index
    %get3A_40 = arith.constant 32 : index
    %get3A_41 = tpu.vector_load %arg6[%get3A_39, %get3A_40] {strides = array<i32>} : memref<125x80xi32, #tpu.memory_space<vmem>>, vector<1x16xi32>,
    %get3A_42 = vector.shape_cast %get3A_41 : vector<1x16xi32> to vector<16xi32>
    %and3A_43 = arith.andi %get3A_42, %broadcast_in_dim3A_1 : vector<16xi32>
    %swap3A_44 = arith.constant 0 : i32
    %swap3A_45 = arith.index_cast %swap3A_44 : i32 to index
    %swap3A_46 = arith.constant 32 : index
    %swap3A_47 = tpu.vector_load %arg7[%swap3A_45, %swap3A_46] {strides = array<i32>} : memref<8x80xi32, #tpu.memory_space<vmem>>, vector<1x16xi32>,
    %swap3A_48 = vector.shape_cast %swap3A_47 : vector<1x16xi32> to vector<16xi32>
    %swap3A_49 = vector.shape_cast %and3A_43 : vector<16xi32> to vector<1x16xi32>
    tpu.vector_store %arg7[%swap3A_45, %swap3A_46], %swap3A_49 {strides = array<i32>} : memref<8x80xi32, #tpu.memory_space<vmem>>, vector<1x16xi32>,
    %shift_right_logical3A_50 = arith.shrui %get3A_42, %broadcast_in_dim3A_3 : vector<16xi32>
    %swap3A_51 = arith.constant 0 : i32
    %swap3A_52 = arith.index_cast %swap3A_51 : i32 to index
    %swap3A_53 = arith.constant 32 : index
    %swap3A_54 = tpu.vector_load %arg8[%swap3A_52, %swap3A_53] {strides = array<i32>} : memref<8x80xi32, #tpu.memory_space<vmem>>, vector<1x16xi32>,
    %swap3A_55 = vector.shape_cast %swap3A_54 : vector<1x16xi32> to vector<16xi32>
    %swap3A_56 = vector.shape_cast %shift_right_logical3A_50 : vector<16xi32> to vector<1x16xi32>
    tpu.vector_store %arg8[%swap3A_52, %swap3A_53], %swap3A_56 {strides = array<i32>} : memref<8x80xi32, #tpu.memory_space<vmem>>, vector<1x16xi32>,
    %get3A_57 = arith.constant 0 : i32
    %get3A_58 = arith.index_cast %get3A_57 : i32 to index
    %get3A_59 = arith.constant 48 : index
    %get3A_60 = tpu.vector_load %arg6[%get3A_58, %get3A_59] {strides = array<i32>} : memref<125x80xi32, #tpu.memory_space<vmem>>, vector<1x16xi32>,
    %get3A_61 = vector.shape_cast %get3A_60 : vector<1x16xi32> to vector<16xi32>
    %and3A_62 = arith.andi %get3A_61, %broadcast_in_dim3A_1 : vector<16xi32>
    %swap3A_63 = arith.constant 0 : i32
    %swap3A_64 = arith.index_cast %swap3A_63 : i32 to index
    %swap3A_65 = arith.constant 48 : index
    %swap3A_66 = tpu.vector_load %arg7[%swap3A_64, %swap3A_65] {strides = array<i32>} : memref<8x80xi32, #tpu.memory_space<vmem>>, vector<1x16xi32>,
    %swap3A_67 = vector.shape_cast %swap3A_66 : vector<1x16xi32> to vector<16xi32>
    %swap3A_68 = vector.shape_cast %and3A_62 : vector<16xi32> to vector<1x16xi32>
    tpu.vector_store %arg7[%swap3A_64, %swap3A_65], %swap3A_68 {strides = array<i32>} : memref<8x80xi32, #tpu.memory_space<vmem>>, vector<1x16xi32>,
    %shift_right_logical3A_69 = arith.shrui %get3A_61, %broadcast_in_dim3A_3 : vector<16xi32>
    %swap3A_70 = arith.constant 0 : i32
    %swap3A_71 = arith.index_cast %swap3A_70 : i32 to index
    %swap3A_72 = arith.constant 48 : index
    %swap3A_73 = tpu.vector_load %arg8[%swap3A_71, %swap3A_72] {strides = array<i32>} : memref<8x80xi32, #tpu.memory_space<vmem>>, vector<1x16xi32>,
    %swap3A_74 = vector.shape_cast %swap3A_73 : vector<1x16xi32> to vector<16xi32>
    %swap3A_75 = vector.shape_cast %shift_right_logical3A_69 : vector<16xi32> to vector<1x16xi32>
    tpu.vector_store %arg8[%swap3A_71, %swap3A_72], %swap3A_75 {strides = array<i32>} : memref<8x80xi32, #tpu.memory_space<vmem>>, vector<1x16xi32>,
    %get3A_76 = arith.constant 0 : i32
    %get3A_77 = arith.index_cast %get3A_76 : i32 to index
    %get3A_78 = arith.constant 64 : index
    %get3A_79 = tpu.vector_load %arg6[%get3A_77, %get3A_78] {strides = array<i32>} : memref<125x80xi32, #tpu.memory_space<vmem>>, vector<1x16xi32>,
    %get3A_80 = vector.shape_cast %get3A_79 : vector<1x16xi32> to vector<16xi32>
    %and3A_81 = arith.andi %get3A_80, %broadcast_in_dim3A_1 : vector<16xi32>
    %swap3A_82 = arith.constant 0 : i32
    %swap3A_83 = arith.index_cast %swap3A_82 : i32 to index
    %swap3A_84 = arith.constant 64 : index
    %swap3A_85 = tpu.vector_load %arg7[%swap3A_83, %swap3A_84] {strides = array<i32>} : memref<8x80xi32, #tpu.memory_space<vmem>>, vector<1x16xi32>,
    %swap3A_86 = vector.shape_cast %swap3A_85 : vector<1x16xi32> to vector<16xi32>
    %swap3A_87 = vector.shape_cast %and3A_81 : vector<16xi32> to vector<1x16xi32>
    tpu.vector_store %arg7[%swap3A_83, %swap3A_84], %swap3A_87 {strides = array<i32>} : memref<8x80xi32, #tpu.memory_space<vmem>>, vector<1x16xi32>,
    %shift_right_logical3A_88 = arith.shrui %get3A_80, %broadcast_in_dim3A_3 : vector<16xi32>
    %swap3A_89 = arith.constant 0 : i32
    %swap3A_90 = arith.index_cast %swap3A_89 : i32 to index
    %swap3A_91 = arith.constant 64 : index
    %swap3A_92 = tpu.vector_load %arg8[%swap3A_90, %swap3A_91] {strides = array<i32>} : memref<8x80xi32, #tpu.memory_space<vmem>>, vector<1x16xi32>,
    %swap3A_93 = vector.shape_cast %swap3A_92 : vector<1x16xi32> to vector<16xi32>
    %swap3A_94 = vector.shape_cast %shift_right_logical3A_88 : vector<16xi32> to vector<1x16xi32>
    tpu.vector_store %arg8[%swap3A_90, %swap3A_91], %swap3A_94 {strides = array<i32>} : memref<8x80xi32, #tpu.memory_space<vmem>>, vector<1x16xi32>,
    %get3A_95 = arith.constant 1 : i32
    %get3A_96 = arith.index_cast %get3A_95 : i32 to index
    %get3A_97 = arith.constant 0 : index
    %get3A_98 = tpu.vector_load %arg6[%get3A_96, %get3A_97] {strides = array<i32>} : memref<125x80xi32, #tpu.memory_space<vmem>>, vector<1x16xi32>,
    %get3A_99 = vector.shape_cast %get3A_98 : vector<1x16xi32> to vector<16xi32>
    %and3A_100 = arith.andi %get3A_99, %broadcast_in_dim3A_1 : vector<16xi32>
    %swap3A_101 = arith.constant 1 : i32
    %swap3A_102 = arith.index_cast %swap3A_101 : i32 to index
    %swap3A_103 = arith.constant 0 : index
    %swap3A_104 = tpu.vector_load %arg7[%swap3A_102, %swap3A_103] {strides = array<i32>} : memref<8x80xi32, #tpu.memory_space<vmem>>, vector<1x16xi32>,
    %swap3A_105 = vector.shape_cast %swap3A_104 : vector<1x16xi32> to vector<16xi32>
    %swap3A_106 = vector.shape_cast %and3A_100 : vector<16xi32> to vector<1x16xi32>
    tpu.vector_store %arg7[%swap3A_102, %swap3A_103], %swap3A_106 {strides = array<i32>} : memref<8x80xi32, #tpu.memory_space<vmem>>, vector<1x16xi32>,
    %shift_right_logical3A_107 = arith.shrui %get3A_99, %broadcast_in_dim3A_3 : vector<16xi32>
    %swap3A_108 = arith.constant 1 : i32
    %swap3A_109 = arith.index_cast %swap3A_108 : i32 to index
    %swap3A_110 = arith.constant 0 : index
    %swap3A_111 = tpu.vector_load %arg8[%swap3A_109, %swap3A_110] {strides = array<i32>} : memref<8x80xi32, #tpu.memory_space<vmem>>, vector<1x16xi32>,
    %swap3A_112 = vector.shape_cast %swap3A_111 : vector<1x16xi32> to vector<16xi32>
    %swap3A_113 = vector.shape_cast %shift_right_logical3A_107 : vector<16xi32> to vector<1x16xi32>
    tpu.vector_store %arg8[%swap3A_109, %swap3A_110], %swap3A_113 {strides = array<i32>} : memref<8x80xi32, #tpu.memory_space<vmem>>, vector<1x16xi32>,
    %get3A_114 = arith.constant 1 : i32
    %get3A_115 = arith.index_cast %get3A_114 : i32 to index
    %get3A_116 = arith.constant 16 : index
    %get3A_117 = tpu.vector_load %arg6[%get3A_115, %get3A_116] {strides = array<i32>} : memref<125x80xi32, #tpu.memory_space<vmem>>, vector<1x16xi32>,
    %get3A_118 = vector.shape_cast %get3A_117 : vector<1x16xi32> to vector<16xi32>
    %and3A_119 = arith.andi %get3A_118, %broadcast_in_dim3A_1 : vector<16xi32>
    %swap3A_120 = arith.constant 1 : i32
    %swap3A_121 = arith.index_cast %swap3A_120 : i32 to index
    %swap3A_122 = arith.constant 16 : index
    %swap3A_123 = tpu.vector_load %arg7[%swap3A_121, %swap3A_122] {strides = array<i32>} : memref<8x80xi32, #tpu.memory_space<vmem>>, vector<1x16xi32>,
    %swap3A_124 = vector.shape_cast %swap3A_123 : vector<1x16xi32> to vector<16xi32>
    %swap3A_125 = vector.shape_cast %and3A_119 : vector<16xi32> to vector<1x16xi32>
    tpu.vector_store %arg7[%swap3A_121, %swap3A_122], %swap3A_125 {strides = array<i32>} : memref<8x80xi32, #tpu.memory_space<vmem>>, vector<1x16xi32>,
    %shift_right_logical3A_126 = arith.shrui %get3A_118, %broadcast_in_dim3A_3 : vector<16xi32>
    %swap3A_127 = arith.constant 1 : i32
    %swap3A_128 = arith.index_cast %swap3A_127 : i32 to index
    %swap3A_129 = arith.constant 16 : index
    %swap3A_130 = tpu.vector_load %arg8[%swap3A_128, %swap3A_129] {strides = array<i32>} : memref<8x80xi32, #tpu.memory_space<vmem>>, vector<1x16xi32>,
    %swap3A_131 = vector.shape_cast %swap3A_130 : vector<1x16xi32> to vector<16xi32>
    %swap3A_132 = vector.shape_cast %shift_right_logical3A_126 : vector<16xi32> to vector<1x16xi32>
    tpu.vector_store %arg8[%swap3A_128, %swap3A_129], %swap3A_132 {strides = array<i32>} : memref<8x80xi32, #tpu.memory_space<vmem>>, vector<1x16xi32>,
    %get3A_133 = arith.constant 1 : i32
    %get3A_134 = arith.index_cast %get3A_133 : i32 to index
    %get3A_135 = arith.constant 32 : index
    %get3A_136 = tpu.vector_load %arg6[%get3A_134, %get3A_135] {strides = array<i32>} : memref<125x80xi32, #tpu.memory_space<vmem>>, vector<1x16xi32>,
    %get3A_137 = vector.shape_cast %get3A_136 : vector<1x16xi32> to vector<16xi32>
    %and3A_138 = arith.andi %get3A_137, %broadcast_in_dim3A_1 : vector<16xi32>
    %swap3A_139 = arith.constant 1 : i32
    %swap3A_140 = arith.index_cast %swap3A_139 : i32 to index
    %swap3A_141 = arith.constant 32 : index
    %swap3A_142 = tpu.vector_load %arg7[%swap3A_140, %swap3A_141] {strides = array<i32>} : memref<8x80xi32, #tpu.memory_space<vmem>>, vector<1x16xi32>,
    %swap3A_143 = vector.shape_cast %swap3A_142 : vector<1x16xi32> to vector<16xi32>
    %swap3A_144 = vector.shape_cast %and3A_138 : vector<16xi32> to vector<1x16xi32>
    tpu.vector_store %arg7[%swap3A_140, %swap3A_141], %swap3A_144 {strides = array<i32>} : memref<8x80xi32, #tpu.memory_space<vmem>>, vector<1x16xi32>,
    %shift_right_logical3A_145 = arith.shrui %get3A_137, %broadcast_in_dim3A_3 : vector<16xi32>
    %swap3A_146 = arith.constant 1 : i32
    %swap3A_147 = arith.index_cast %swap3A_146 : i32 to index
    %swap3A_148 = arith.constant 32 : index
    %swap3A_149 = tpu.vector_load %arg8[%swap3A_147, %swap3A_148] {strides = array<i32>} : memref<8x80xi32, #tpu.memory_space<vmem>>, vector<1x16xi32>,
    %swap3A_150 = vector.shape_cast %swap3A_149 : vector<1x16xi32> to vector<16xi32>
    %swap3A_151 = vector.shape_cast %shift_right_logical3A_145 : vector<16xi32> to vector<1x16xi32>
    tpu.vector_store %arg8[%swap3A_147, %swap3A_148], %swap3A_151 {strides = array<i32>} : memref<8x80xi32, #tpu.memory_space<vmem>>, vector<1x16xi32>,
    %get3A_152 = arith.constant 1 : i32
    %get3A_153 = arith.index_cast %get3A_152 : i32 to index
    %get3A_154 = arith.constant 48 : index
    %get3A_155 = tpu.vector_load %arg6[%get3A_153, %get3A_154] {strides = array<i32>} : memref<125x80xi32, #tpu.memory_space<vmem>>, vector<1x16xi32>,
    %get3A_156 = vector.shape_cast %get3A_155 : vector<1x16xi32> to vector<16xi32>
    %and3A_157 = arith.andi %get3A_156, %broadcast_in_dim3A_1 : vector<16xi32>
    %swap3A_158 = arith.constant 1 : i32
    %swap3A_159 = arith.index_cast %swap3A_158 : i32 to index
    %swap3A_160 = arith.constant 48 : index
    %swap3A_161 = tpu.vector_load %arg7[%swap3A_159, %swap3A_160] {strides = array<i32>} : memref<8x80xi32, #tpu.memory_space<vmem>>, vector<1x16xi32>,
    %swap3A_162 = vector.shape_cast %swap3A_161 : vector<1x16xi32> to vector<16xi32>
    %swap3A_163 = vector.shape_cast %and3A_157 : vector<16xi32> to vector<1x16xi32>
    tpu.vector_store %arg7[%swap3A_159, %swap3A_160], %swap3A_163 {strides = array<i32>} : memref<8x80xi32, #tpu.memory_space<vmem>>, vector<1x16xi32>,
    %shift_right_logical3A_164 = arith.shrui %get3A_156, %broadcast_in_dim3A_3 : vector<16xi32>
    %swap3A_165 = arith.constant 1 : i32
    %swap3A_166 = arith.index_cast %swap3A_165 : i32 to index
    %swap3A_167 = arith.constant 48 : index
    %swap3A_168 = tpu.vector_load %arg8[%swap3A_166, %swap3A_167] {strides = array<i32>} : memref<8x80xi32, #tpu.memory_space<vmem>>, vector<1x16xi32>,
    %swap3A_169 = vector.shape_cast %swap3A_168 : vector<1x16xi32> to vector<16xi32>
    %swap3A_170 = vector.shape_cast %shift_right_logical3A_164 : vector<16xi32> to vector<1x16xi32>
    tpu.vector_store %arg8[%swap3A_166, %swap3A_167], %swap3A_170 {strides = array<i32>} : memref<8x80xi32, #tpu.memory_space<vmem>>, vector<1x16xi32>,
    %get3A_171 = arith.constant 1 : i32
    %get3A_172 = arith.index_cast %get3A_171 : i32 to index
    %get3A_173 = arith.constant 64 : index
    %get3A_174 = tpu.vector_load %arg6[%get3A_172, %get3A_173] {strides = array<i32>} : memref<125x80xi32, #tpu.memory_space<vmem>>, vector<1x16xi32>,
    %get3A_175 = vector.shape_cast %get3A_174 : vector<1x16xi32> to vector<16xi32>
    %and3A_176 = arith.andi %get3A_175, %broadcast_in_dim3A_1 : vector<16xi32>
    %swap3A_177 = arith.constant 1 : i32
    %swap3A_178 = arith.index_cast %swap3A_177 : i32 to index
    %swap3A_179 = arith.constant 64 : index
    %swap3A_180 = tpu.vector_load %arg7[%swap3A_178, %swap3A_179] {strides = array<i32>} : memref<8x80xi32, #tpu.memory_space<vmem>>, vector<1x16xi32>,
    %swap3A_181 = vector.shape_cast %swap3A_180 : vector<1x16xi32> to vector<16xi32>
    %swap3A_182 = vector.shape_cast %and3A_176 : vector<16xi32> to vector<1x16xi32>
    tpu.vector_store %arg7[%swap3A_178, %swap3A_179], %swap3A_182 {strides = array<i32>} : memref<8x80xi32, #tpu.memory_space<vmem>>, vector<1x16xi32>,
    %shift_right_logical3A_183 = arith.shrui %get3A_175, %broadcast_in_dim3A_3 : vector<16xi32>
    %swap3A_184 = arith.constant 1 : i32
    %swap3A_185 = arith.index_cast %swap3A_184 : i32 to index
    %swap3A_186 = arith.constant 64 : index
    %swap3A_187 = tpu.vector_load %arg8[%swap3A_185, %swap3A_186] {strides = array<i32>} : memref<8x80xi32, #tpu.memory_space<vmem>>, vector<1x16xi32>,
    %swap3A_188 = vector.shape_cast %swap3A_187 : vector<1x16xi32> to vector<16xi32>
    %swap3A_189 = vector.shape_cast %shift_right_logical3A_183 : vector<16xi32> to vector<1x16xi32>
    tpu.vector_store %arg8[%swap3A_185, %swap3A_186], %swap3A_189 {strides = array<i32>} : memref<8x80xi32, #tpu.memory_space<vmem>>, vector<1x16xi32>,
    %get3A_190 = arith.constant 2 : i32
    %get3A_191 = arith.index_cast %get3A_190 : i32 to index
    %get3A_192 = arith.constant 0 : index
    %get3A_193 = tpu.vector_load %arg6[%get3A_191, %get3A_192] {strides = array<i32>} : memref<125x80xi32, #tpu.memory_space<vmem>>, vector<1x16xi32>,
    %get3A_194 = vector.shape_cast %get3A_193 : vector<1x16xi32> to vector<16xi32>
    %and3A_195 = arith.andi %get3A_194, %broadcast_in_dim3A_1 : vector<16xi32>
    %swap3A_196 = arith.constant 2 : i32
    %swap3A_197 = arith.index_cast %swap3A_196 : i32 to index
    %swap3A_198 = arith.constant 0 : index
    %swap3A_199 = tpu.vector_load %arg7[%swap3A_197, %swap3A_198] {strides = array<i32>} : memref<8x80xi32, #tpu.memory_space<vmem>>, vector<1x16xi32>,
    %swap3A_200 = vector.shape_cast %swap3A_199 : vector<1x16xi32> to vector<16xi32>
    %swap3A_201 = vector.shape_cast %and3A_195 : vector<16xi32> to vector<1x16xi32>
    tpu.vector_store %arg7[%swap3A_197, %swap3A_198], %swap3A_201 {strides = array<i32>} : memref<8x80xi32, #tpu.memory_space<vmem>>, vector<1x16xi32>,
    %shift_right_logical3A_202 = arith.shrui %get3A_194, %broadcast_in_dim3A_3 : vector<16xi32>
    %swap3A_203 = arith.constant 2 : i32
    %swap3A_204 = arith.index_cast %swap3A_203 : i32 to index
    %swap3A_205 = arith.constant 0 : index
    %swap3A_206 = tpu.vector_load %arg8[%swap3A_204, %swap3A_205] {strides = array<i32>} : memref<8x80xi32, #tpu.memory_space<vmem>>, vector<1x16xi32>,
    %swap3A_207 = vector.shape_cast %swap3A_206 : vector<1x16xi32> to vector<16xi32>
    %swap3A_208 = vector.shape_cast %shift_right_logical3A_202 : vector<16xi32> to vector<1x16xi32>
    tpu.vector_store %arg8[%swap3A_204, %swap3A_205], %swap3A_208 {strides = array<i32>} : memref<8x80xi32, #tpu.memory_space<vmem>>, vector<1x16xi32>,
    %get3A_209 = arith.constant 2 : i32
    %get3A_210 = arith.index_cast %get3A_209 : i32 to index
    %get3A_211 = arith.constant 16 : index
    %get3A_212 = tpu.vector_load %arg6[%get3A_210, %get3A_211] {strides = array<i32>} : memref<125x80xi32, #tpu.memory_space<vmem>>, vector<1x16xi32>,
    %get3A_213 = vector.shape_cast %get3A_212 : vector<1x16xi32> to vector<16xi32>
    %and3A_214 = arith.andi %get3A_213, %broadcast_in_dim3A_1 : vector<16xi32>
    %swap3A_215 = arith.constant 2 : i32
    %swap3A_216 = arith.index_cast %swap3A_215 : i32 to index
    %swap3A_217 = arith.constant 16 : index
    %swap3A_218 = tpu.vector_load %arg7[%swap3A_216, %swap3A_217] {strides = array<i32>} : memref<8x80xi32, #tpu.memory_space<vmem>>, vector<1x16xi32>,
    %swap3A_219 = vector.shape_cast %swap3A_218 : vector<1x16xi32> to vector<16xi32>
    %swap3A_220 = vector.shape_cast %and3A_214 : vector<16xi32> to vector<1x16xi32>
    tpu.vector_store %arg7[%swap3A_216, %swap3A_217], %swap3A_220 {strides = array<i32>} : memref<8x80xi32, #tpu.memory_space<vmem>>, vector<1x16xi32>,
    %shift_right_logical3A_221 = arith.shrui %get3A_213, %broadcast_in_dim3A_3 : vector<16xi32>
    %swap3A_222 = arith.constant 2 : i32
    %swap3A_223 = arith.index_cast %swap3A_222 : i32 to index
    %swap3A_224 = arith.constant 16 : index
    %swap3A_225 = tpu.vector_load %arg8[%swap3A_223, %swap3A_224] {strides = array<i32>} : memref<8x80xi32, #tpu.memory_space<vmem>>, vector<1x16xi32>,
    %swap3A_226 = vector.shape_cast %swap3A_225 : vector<1x16xi32> to vector<16xi32>
    %swap3A_227 = vector.shape_cast %shift_right_logical3A_221 : vector<16xi32> to vector<1x16xi32>
    tpu.vector_store %arg8[%swap3A_223, %swap3A_224], %swap3A_227 {strides = array<i32>} : memref<8x80xi32, #tpu.memory_space<vmem>>, vector<1x16xi32>,
    %get3A_228 = arith.constant 2 : i32
    %get3A_229 = arith.index_cast %get3A_228 : i32 to index
    %get3A_230 = arith.constant 32 : index
    %get3A_231 = tpu.vector_load %arg6[%get3A_229, %get3A_230] {strides = array<i32>} : memref<125x80xi32, #tpu.memory_space<vmem>>, vector<1x16xi32>,
    %get3A_232 = vector.shape_cast %get3A_231 : vector<1x16xi32> to vector<16xi32>
    %and3A_233 = arith.andi %get3A_232, %broadcast_in_dim3A_1 : vector<16xi32>
    %swap3A_234 = arith.constant 2 : i32
    %swap3A_235 = arith.index_cast %swap3A_234 : i32 to index
    %swap3A_236 = arith.constant 32 : index
    %swap3A_237 = tpu.vector_load %arg7[%swap3A_235, %swap3A_236] {strides = array<i32>} : memref<8x80xi32, #tpu.memory_space<vmem>>, vector<1x16xi32>,
    %swap3A_238 = vector.shape_cast %swap3A_237 : vector<1x16xi32> to vector<16xi32>
    %swap3A_239 = vector.shape_cast %and3A_233 : vector<16xi32> to vector<1x16xi32>
    tpu.vector_store %arg7[%swap3A_235, %swap3A_236], %swap3A_239 {strides = array<i32>} : memref<8x80xi32, #tpu.memory_space<vmem>>, vector<1x16xi32>,
    %shift_right_logical3A_240 = arith.shrui %get3A_232, %broadcast_in_dim3A_3 : vector<16xi32>
    %swap3A_241 = arith.constant 2 : i32
    %swap3A_242 = arith.index_cast %swap3A_241 : i32 to index
    %swap3A_243 = arith.constant 32 : index
    %swap3A_244 = tpu.vector_load %arg8[%swap3A_242, %swap3A_243] {strides = array<i32>} : memref<8x80xi32, #tpu.memory_space<vmem>>, vector<1x16xi32>,
    %swap3A_245 = vector.shape_cast %swap3A_244 : vector<1x16xi32> to vector<16xi32>
    %swap3A_246 = vector.shape_cast %shift_right_logical3A_240 : vector<16xi32> to vector<1x16xi32>
    tpu.vector_store %arg8[%swap3A_242, %swap3A_243], %swap3A_246 {strides = array<i32>} : memref<8x80xi32, #tpu.memory_space<vmem>>, vector<1x16xi32>,
    %get3A_247 = arith.constant 2 : i32
    %get3A_248 = arith.index_cast %get3A_247 : i32 to index
    %get3A_249 = arith.constant 48 : index
    %get3A_250 = tpu.vector_load %arg6[%get3A_248, %get3A_249] {strides = array<i32>} : memref<125x80xi32, #tpu.memory_space<vmem>>, vector<1x16xi32>,
    %get3A_251 = vector.shape_cast %get3A_250 : vector<1x16xi32> to vector<16xi32>
    %and3A_252 = arith.andi %get3A_251, %broadcast_in_dim3A_1 : vector<16xi32>
    %swap3A_253 = arith.constant 2 : i32
    %swap3A_254 = arith.index_cast %swap3A_253 : i32 to index
    %swap3A_255 = arith.constant 48 : index
    %swap3A_256 = tpu.vector_load %arg7[%swap3A_254, %swap3A_255] {strides = array<i32>} : memref<8x80xi32, #tpu.memory_space<vmem>>, vector<1x16xi32>,
    %swap3A_257 = vector.shape_cast %swap3A_256 : vector<1x16xi32> to vector<16xi32>
    %swap3A_258 = vector.shape_cast %and3A_252 : vector<16xi32> to vector<1x16xi32>
    tpu.vector_store %arg7[%swap3A_254, %swap3A_255], %swap3A_258 {strides = array<i32>} : memref<8x80xi32, #tpu.memory_space<vmem>>, vector<1x16xi32>,
    %shift_right_logical3A_259 = arith.shrui %get3A_251, %broadcast_in_dim3A_3 : vector<16xi32>
    %swap3A_260 = arith.constant 2 : i32
    %swap3A_261 = arith.index_cast %swap3A_260 : i32 to index
    %swap3A_262 = arith.constant 48 : index
    %swap3A_263 = tpu.vector_load %arg8[%swap3A_261, %swap3A_262] {strides = array<i32>} : memref<8x80xi32, #tpu.memory_space<vmem>>, vector<1x16xi32>,
    %swap3A_264 = vector.shape_cast %swap3A_263 : vector<1x16xi32> to vector<16xi32>
    %swap3A_265 = vector.shape_cast %shift_right_logical3A_259 : vector<16xi32> to vector<1x16xi32>
    tpu.vector_store %arg8[%swap3A_261, %swap3A_262], %swap3A_265 {strides = array<i32>} : memref<8x80xi32, #tpu.memory_space<vmem>>, vector<1x16xi32>,
    %get3A_266 = arith.constant 2 : i32
    %get3A_267 = arith.index_cast %get3A_266 : i32 to index
    %get3A_268 = arith.constant 64 : index
    %get3A_269 = tpu.vector_load %arg6[%get3A_267, %get3A_268] {strides = array<i32>} : memref<125x80xi32, #tpu.memory_space<vmem>>, vector<1x16xi32>,
    %get3A_270 = vector.shape_cast %get3A_269 : vector<1x16xi32> to vector<16xi32>
    %and3A_271 = arith.andi %get3A_270, %broadcast_in_dim3A_1 : vector<16xi32>
    %swap3A_272 = arith.constant 2 : i32
    %swap3A_273 = arith.index_cast %swap3A_272 : i32 to index
    %swap3A_274 = arith.constant 64 : index
    %swap3A_275 = tpu.vector_load %arg7[%swap3A_273, %swap3A_274] {strides = array<i32>} : memref<8x80xi32, #tpu.memory_space<vmem>>, vector<1x16xi32>,
    %swap3A_276 = vector.shape_cast %swap3A_275 : vector<1x16xi32> to vector<16xi32>
    %swap3A_277 = vector.shape_cast %and3A_271 : vector<16xi32> to vector<1x16xi32>
    tpu.vector_store %arg7[%swap3A_273, %swap3A_274], %swap3A_277 {strides = array<i32>} : memref<8x80xi32, #tpu.memory_space<vmem>>, vector<1x16xi32>,
    %shift_right_logical3A_278 = arith.shrui %get3A_270, %broadcast_in_dim3A_3 : vector<16xi32>
    %swap3A_279 = arith.constant 2 : i32
    %swap3A_280 = arith.index_cast %swap3A_279 : i32 to index
    %swap3A_281 = arith.constant 64 : index
    %swap3A_282 = tpu.vector_load %arg8[%swap3A_280, %swap3A_281] {strides = array<i32>} : memref<8x80xi32, #tpu.memory_space<vmem>>, vector<1x16xi32>,
    %swap3A_283 = vector.shape_cast %swap3A_282 : vector<1x16xi32> to vector<16xi32>
    %swap3A_284 = vector.shape_cast %shift_right_logical3A_278 : vector<16xi32> to vector<1x16xi32>
    tpu.vector_store %arg8[%swap3A_280, %swap3A_281], %swap3A_284 {strides = array<i32>} : memref<8x80xi32, #tpu.memory_space<vmem>>, vector<1x16xi32>,
    %get3A_285 = arith.constant 3 : i32
    %get3A_286 = arith.index_cast %get3A_285 : i32 to index
    %get3A_287 = arith.constant 0 : index
    %get3A_288 = tpu.vector_load %arg6[%get3A_286, %get3A_287] {strides = array<i32>} : memref<125x80xi32, #tpu.memory_space<vmem>>, vector<1x16xi32>,
    %get3A_289 = vector.shape_cast %get3A_288 : vector<1x16xi32> to vector<16xi32>
    %and3A_290 = arith.andi %get3A_289, %broadcast_in_dim3A_1 : vector<16xi32>
    %swap3A_291 = arith.constant 3 : i32
    %swap3A_292 = arith.index_cast %swap3A_291 : i32 to index
    %swap3A_293 = arith.constant 0 : index
    %swap3A_294 = tpu.vector_load %arg7[%swap3A_292, %swap3A_293] {strides = array<i32>} : memref<8x80xi32, #tpu.memory_space<vmem>>, vector<1x16xi32>,
    %swap3A_295 = vector.shape_cast %swap3A_294 : vector<1x16xi32> to vector<16xi32>
    %swap3A_296 = vector.shape_cast %and3A_290 : vector<16xi32> to vector<1x16xi32>
    tpu.vector_store %arg7[%swap3A_292, %swap3A_293], %swap3A_296 {strides = array<i32>} : memref<8x80xi32, #tpu.memory_space<vmem>>, vector<1x16xi32>,
    %shift_right_logical3A_297 = arith.shrui %get3A_289, %broadcast_in_dim3A_3 : vector<16xi32>
    %swap3A_298 = arith.constant 3 : i32
    %swap3A_299 = arith.index_cast %swap3A_298 : i32 to index
    %swap3A_300 = arith.constant 0 : index
    %swap3A_301 = tpu.vector_load %arg8[%swap3A_299, %swap3A_300] {strides = array<i32>} : memref<8x80xi32, #tpu.memory_space<vmem>>, vector<1x16xi32>,
    %swap3A_302 = vector.shape_cast %swap3A_301 : vector<1x16xi32> to vector<16xi32>
    %swap3A_303 = vector.shape_cast %shift_right_logical3A_297 : vector<16xi32> to vector<1x16xi32>
    tpu.vector_store %arg8[%swap3A_299, %swap3A_300], %swap3A_303 {strides = array<i32>} : memref<8x80xi32, #tpu.memory_space<vmem>>, vector<1x16xi32>,
    %get3A_304 = arith.constant 3 : i32
    %get3A_305 = arith.index_cast %get3A_304 : i32 to index
    %get3A_306 = arith.constant 16 : index
    %get3A_307 = tpu.vector_load %arg6[%get3A_305, %get3A_306] {strides = array<i32>} : memref<125x80xi32, #tpu.memory_space<vmem>>, vector<1x16xi32>,
    %get3A_308 = vector.shape_cast %get3A_307 : vector<1x16xi32> to vector<16xi32>
    %and3A_309 = arith.andi %get3A_308, %broadcast_in_dim3A_1 : vector<16xi32>
    %swap3A_310 = arith.constant 3 : i32
    %swap3A_311 = arith.index_cast %swap3A_310 : i32 to index
    %swap3A_312 = arith.constant 16 : index
    %swap3A_313 = tpu.vector_load %arg7[%swap3A_311, %swap3A_312] {strides = array<i32>} : memref<8x80xi32, #tpu.memory_space<vmem>>, vector<1x16xi32>,
    %swap3A_314 = vector.shape_cast %swap3A_313 : vector<1x16xi32> to vector<16xi32>
    %swap3A_315 = vector.shape_cast %and3A_309 : vector<16xi32> to vector<1x16xi32>
    tpu.vector_store %arg7[%swap3A_311, %swap3A_312], %swap3A_315 {strides = array<i32>} : memref<8x80xi32, #tpu.memory_space<vmem>>, vector<1x16xi32>,
    %shift_right_logical3A_316 = arith.shrui %get3A_308, %broadcast_in_dim3A_3 : vector<16xi32>
    %swap3A_317 = arith.constant 3 : i32
    %swap3A_318 = arith.index_cast %swap3A_317 : i32 to index
    %swap3A_319 = arith.constant 16 : index
    %swap3A_320 = tpu.vector_load %arg8[%swap3A_318, %swap3A_319] {strides = array<i32>} : memref<8x80xi32, #tpu.memory_space<vmem>>, vector<1x16xi32>,
    %swap3A_321 = vector.shape_cast %swap3A_320 : vector<1x16xi32> to vector<16xi32>
    %swap3A_322 = vector.shape_cast %shift_right_logical3A_316 : vector<16xi32> to vector<1x16xi32>
    tpu.vector_store %arg8[%swap3A_318, %swap3A_319], %swap3A_322 {strides = array<i32>} : memref<8x80xi32, #tpu.memory_space<vmem>>, vector<1x16xi32>,
    %get3A_323 = arith.constant 3 : i32
    %get3A_324 = arith.index_cast %get3A_323 : i32 to index
    %get3A_325 = arith.constant 32 : index
    %get3A_326 = tpu.vector_load %arg6[%get3A_324, %get3A_325] {strides = array<i32>} : memref<125x80xi32, #tpu.memory_space<vmem>>, vector<1x16xi32>,
    %get3A_327 = vector.shape_cast %get3A_326 : vector<1x16xi32> to vector<16xi32>
    %and3A_328 = arith.andi %get3A_327, %broadcast_in_dim3A_1 : vector<16xi32>
    %swap3A_329 = arith.constant 3 : i32
    %swap3A_330 = arith.index_cast %swap3A_329 : i32 to index
    %swap3A_331 = arith.constant 32 : index
    %swap3A_332 = tpu.vector_load %arg7[%swap3A_330, %swap3A_331] {strides = array<i32>} : memref<8x80xi32, #tpu.memory_space<vmem>>, vector<1x16xi32>,
    %swap3A_333 = vector.shape_cast %swap3A_332 : vector<1x16xi32> to vector<16xi32>
    %swap3A_334 = vector.shape_cast %and3A_328 : vector<16xi32> to vector<1x16xi32>
    tpu.vector_store %arg7[%swap3A_330, %swap3A_331], %swap3A_334 {strides = array<i32>} : memref<8x80xi32, #tpu.memory_space<vmem>>, vector<1x16xi32>,
    %shift_right_logical3A_335 = arith.shrui %get3A_327, %broadcast_in_dim3A_3 : vector<16xi32>
    %swap3A_336 = arith.constant 3 : i32
    %swap3A_337 = arith.index_cast %swap3A_336 : i32 to index
    %swap3A_338 = arith.constant 32 : index
    %swap3A_339 = tpu.vector_load %arg8[%swap3A_337, %swap3A_338] {strides = array<i32>} : memref<8x80xi32, #tpu.memory_space<vmem>>, vector<1x16xi32>,
    %swap3A_340 = vector.shape_cast %swap3A_339 : vector<1x16xi32> to vector<16xi32>
    %swap3A_341 = vector.shape_cast %shift_right_logical3A_335 : vector<16xi32> to vector<1x16xi32>
    tpu.vector_store %arg8[%swap3A_337, %swap3A_338], %swap3A_341 {strides = array<i32>} : memref<8x80xi32, #tpu.memory_space<vmem>>, vector<1x16xi32>,
    %get3A_342 = arith.constant 3 : i32
    %get3A_343 = arith.index_cast %get3A_342 : i32 to index
    %get3A_344 = arith.constant 48 : index
    %get3A_345 = tpu.vector_load %arg6[%get3A_343, %get3A_344] {strides = array<i32>} : memref<125x80xi32, #tpu.memory_space<vmem>>, vector<1x16xi32>,
    %get3A_346 = vector.shape_cast %get3A_345 : vector<1x16xi32> to vector<16xi32>
    %and3A_347 = arith.andi %get3A_346, %broadcast_in_dim3A_1 : vector<16xi32>
    %swap3A_348 = arith.constant 3 : i32
    %swap3A_349 = arith.index_cast %swap3A_348 : i32 to index
    %swap3A_350 = arith.constant 48 : index
    %swap3A_351 = tpu.vector_load %arg7[%swap3A_349, %swap3A_350] {strides = array<i32>} : memref<8x80xi32, #tpu.memory_space<vmem>>, vector<1x16xi32>,
    %swap3A_352 = vector.shape_cast %swap3A_351 : vector<1x16xi32> to vector<16xi32>
    %swap3A_353 = vector.shape_cast %and3A_347 : vector<16xi32> to vector<1x16xi32>
    tpu.vector_store %arg7[%swap3A_349, %swap3A_350], %swap3A_353 {strides = array<i32>} : memref<8x80xi32, #tpu.memory_space<vmem>>, vector<1x16xi32>,
    %shift_right_logical3A_354 = arith.shrui %get3A_346, %broadcast_in_dim3A_3 : vector<16xi32>
    %swap3A_355 = arith.constant 3 : i32
    %swap3A_356 = arith.index_cast %swap3A_355 : i32 to index
    %swap3A_357 = arith.constant 48 : index
    %swap3A_358 = tpu.vector_load %arg8[%swap3A_356, %swap3A_357] {strides = array<i32>} : memref<8x80xi32, #tpu.memory_space<vmem>>, vector<1x16xi32>,
    %swap3A_359 = vector.shape_cast %swap3A_358 : vector<1x16xi32> to vector<16xi32>
    %swap3A_360 = vector.shape_cast %shift_right_logical3A_354 : vector<16xi32> to vector<1x16xi32>
    tpu.vector_store %arg8[%swap3A_356, %swap3A_357], %swap3A_360 {strides = array<i32>} : memref<8x80xi32, #tpu.memory_space<vmem>>, vector<1x16xi32>,
    %get3A_361 = arith.constant 3 : i32
    %get3A_362 = arith.index_cast %get3A_361 : i32 to index
    %get3A_363 = arith.constant 64 : index
    %get3A_364 = tpu.vector_load %arg6[%get3A_362, %get3A_363] {strides = array<i32>} : memref<125x80xi32, #tpu.memory_space<vmem>>, vector<1x16xi32>,
    %get3A_365 = vector.shape_cast %get3A_364 : vector<1x16xi32> to vector<16xi32>
    %and3A_366 = arith.andi %get3A_365, %broadcast_in_dim3A_1 : vector<16xi32>
    %swap3A_367 = arith.constant 3 : i32
    %swap3A_368 = arith.index_cast %swap3A_367 : i32 to index
    %swap3A_369 = arith.constant 64 : index
    %swap3A_370 = tpu.vector_load %arg7[%swap3A_368, %swap3A_369] {strides = array<i32>} : memref<8x80xi32, #tpu.memory_space<vmem>>, vector<1x16xi32>,
    %swap3A_371 = vector.shape_cast %swap3A_370 : vector<1x16xi32> to vector<16xi32>
    %swap3A_372 = vector.shape_cast %and3A_366 : vector<16xi32> to vector<1x16xi32>
    tpu.vector_store %arg7[%swap3A_368, %swap3A_369], %swap3A_372 {strides = array<i32>} : memref<8x80xi32, #tpu.memory_space<vmem>>, vector<1x16xi32>,
    %shift_right_logical3A_373 = arith.shrui %get3A_365, %broadcast_in_dim3A_3 : vector<16xi32>
    %swap3A_374 = arith.constant 3 : i32
    %swap3A_375 = arith.index_cast %swap3A_374 : i32 to index
    %swap3A_376 = arith.constant 64 : index
    %swap3A_377 = tpu.vector_load %arg8[%swap3A_375, %swap3A_376] {strides = array<i32>} : memref<8x80xi32, #tpu.memory_space<vmem>>, vector<1x16xi32>,
    %swap3A_378 = vector.shape_cast %swap3A_377 : vector<1x16xi32> to vector<16xi32>
    %swap3A_379 = vector.shape_cast %shift_right_logical3A_373 : vector<16xi32> to vector<1x16xi32>
    tpu.vector_store %arg8[%swap3A_375, %swap3A_376], %swap3A_379 {strides = array<i32>} : memref<8x80xi32, #tpu.memory_space<vmem>>, vector<1x16xi32>,
    %dma_start3A = arith.constant 1 : i32
    %dma_start3A_380 = arith.constant 0 : i32
    %dma_start3A_381 = tpu.memref_slice %arg7[%dma_start3A, %dma_start3A_380] : memref<8x80xi32, #tpu.memory_space<vmem>> -> memref<1x80xi32, #tpu.memory_space<vmem>>
    %dma_start3A_382 = tpu.memref_squeeze %dma_start3A_381 : memref<1x80xi32, #tpu.memory_space<vmem>> -> memref<80xi32, #tpu.memory_space<vmem>>
    %dma_start3A_383 = arith.constant 0 : i32
    %dma_start3A_384 = arith.constant 0 : i32
    %dma_start3A_385 = tpu.memref_slice %arg2[%dma_start3A_383, %dma_start3A_384] : memref<10000x128xf32, #tpu.memory_space<hbm>> -> memref<10000x128xf32, #tpu.memory_space<hbm>>
    tpu.enqueue_indirect_dma source(%dma_start3A_385 : memref<10000x128xf32, #tpu.memory_space<hbm>>) target(%arg10 : memref<80x128xf32, #tpu.memory_space<vmem>>) offsets(%dma_start3A_382 : memref<80xi32, #tpu.memory_space<vmem>>) semaphore(%arg13 : memref<!tpu.dma_semaphore, #tpu.memory_space<semaphore_mem>>)
    %dma_start3A_386 = arith.constant 2 : i32
    %dma_start3A_387 = arith.constant 0 : i32
    %dma_start3A_388 = tpu.memref_slice %arg7[%dma_start3A_386, %dma_start3A_387] : memref<8x80xi32, #tpu.memory_space<vmem>> -> memref<1x80xi32, #tpu.memory_space<vmem>>
    %dma_start3A_389 = tpu.memref_squeeze %dma_start3A_388 : memref<1x80xi32, #tpu.memory_space<vmem>> -> memref<80xi32, #tpu.memory_space<vmem>>
    %dma_start3A_390 = arith.constant 0 : i32
    %dma_start3A_391 = arith.constant 0 : i32
    %dma_start3A_392 = tpu.memref_slice %arg2[%dma_start3A_390, %dma_start3A_391] : memref<10000x128xf32, #tpu.memory_space<hbm>> -> memref<10000x128xf32, #tpu.memory_space<hbm>>
    tpu.enqueue_indirect_dma source(%dma_start3A_392 : memref<10000x128xf32, #tpu.memory_space<hbm>>) target(%arg11 : memref<80x128xf32, #tpu.memory_space<vmem>>) offsets(%dma_start3A_389 : memref<80xi32, #tpu.memory_space<vmem>>) semaphore(%arg14 : memref<!tpu.dma_semaphore, #tpu.memory_space<semaphore_mem>>)
    %broadcast_in_dim3A_393 = arith.constant 0.000000e+00 : f32
    %broadcast_in_dim3A_394 = vector.broadcast %broadcast_in_dim3A_393 : f32 to vector<16xf32>
    %scan3A = arith.constant 0 : i32
    %scan3A_395 = arith.constant 0 : i32
    %scan3A_396 = arith.constant 80 : i32
    %scan3A_397 = arith.addi %scan3A_395, %scan3A_396 : i32
    %scan3A_398 = arith.constant 1 : i32
    scf.for %scan3A_447 = %scan3A_395 to %scan3A_397 step %scan3A_398  : i32 {
      %swap3A_448 = arith.index_cast %scan3A_447 : i32 to index
      %swap3A_449 = arith.constant 0 : index
      %swap3A_450 = tpu.vector_load %arg9[%swap3A_448, %swap3A_449] {strides = array<i32>} : memref<80x128xf32, #tpu.memory_space<vmem>>, vector<1x16xf32>,
      %swap3A_451 = vector.shape_cast %swap3A_450 : vector<1x16xf32> to vector<16xf32>
      %swap3A_452 = vector.shape_cast %broadcast_in_dim3A_394 : vector<16xf32> to vector<1x16xf32>
      tpu.vector_store %arg9[%swap3A_448, %swap3A_449], %swap3A_452 {strides = array<i32>} : memref<80x128xf32, #tpu.memory_space<vmem>>, vector<1x16xf32>,
      %swap3A_453 = arith.index_cast %scan3A_447 : i32 to index
      %swap3A_454 = arith.constant 16 : index
      %swap3A_455 = tpu.vector_load %arg9[%swap3A_453, %swap3A_454] {strides = array<i32>} : memref<80x128xf32, #tpu.memory_space<vmem>>, vector<1x16xf32>,
      %swap3A_456 = vector.shape_cast %swap3A_455 : vector<1x16xf32> to vector<16xf32>
      %swap3A_457 = vector.shape_cast %broadcast_in_dim3A_394 : vector<16xf32> to vector<1x16xf32>
      tpu.vector_store %arg9[%swap3A_453, %swap3A_454], %swap3A_457 {strides = array<i32>} : memref<80x128xf32, #tpu.memory_space<vmem>>, vector<1x16xf32>,
      %swap3A_458 = arith.index_cast %scan3A_447 : i32 to index
      %swap3A_459 = arith.constant 32 : index
      %swap3A_460 = tpu.vector_load %arg9[%swap3A_458, %swap3A_459] {strides = array<i32>} : memref<80x128xf32, #tpu.memory_space<vmem>>, vector<1x16xf32>,
      %swap3A_461 = vector.shape_cast %swap3A_460 : vector<1x16xf32> to vector<16xf32>
      %swap3A_462 = vector.shape_cast %broadcast_in_dim3A_394 : vector<16xf32> to vector<1x16xf32>
      tpu.vector_store %arg9[%swap3A_458, %swap3A_459], %swap3A_462 {strides = array<i32>} : memref<80x128xf32, #tpu.memory_space<vmem>>, vector<1x16xf32>,
      %swap3A_463 = arith.index_cast %scan3A_447 : i32 to index
      %swap3A_464 = arith.constant 48 : index
      %swap3A_465 = tpu.vector_load %arg9[%swap3A_463, %swap3A_464] {strides = array<i32>} : memref<80x128xf32, #tpu.memory_space<vmem>>, vector<1x16xf32>,
      %swap3A_466 = vector.shape_cast %swap3A_465 : vector<1x16xf32> to vector<16xf32>
      %swap3A_467 = vector.shape_cast %broadcast_in_dim3A_394 : vector<16xf32> to vector<1x16xf32>
      tpu.vector_store %arg9[%swap3A_463, %swap3A_464], %swap3A_467 {strides = array<i32>} : memref<80x128xf32, #tpu.memory_space<vmem>>, vector<1x16xf32>,
      %swap3A_468 = arith.index_cast %scan3A_447 : i32 to index
      %swap3A_469 = arith.constant 64 : index
      %swap3A_470 = tpu.vector_load %arg9[%swap3A_468, %swap3A_469] {strides = array<i32>} : memref<80x128xf32, #tpu.memory_space<vmem>>, vector<1x16xf32>,
      %swap3A_471 = vector.shape_cast %swap3A_470 : vector<1x16xf32> to vector<16xf32>
      %swap3A_472 = vector.shape_cast %broadcast_in_dim3A_394 : vector<16xf32> to vector<1x16xf32>
      tpu.vector_store %arg9[%swap3A_468, %swap3A_469], %swap3A_472 {strides = array<i32>} : memref<80x128xf32, #tpu.memory_space<vmem>>, vector<1x16xf32>,
      %swap3A_473 = arith.index_cast %scan3A_447 : i32 to index
      %swap3A_474 = arith.constant 80 : index
      %swap3A_475 = tpu.vector_load %arg9[%swap3A_473, %swap3A_474] {strides = array<i32>} : memref<80x128xf32, #tpu.memory_space<vmem>>, vector<1x16xf32>,
      %swap3A_476 = vector.shape_cast %swap3A_475 : vector<1x16xf32> to vector<16xf32>
      %swap3A_477 = vector.shape_cast %broadcast_in_dim3A_394 : vector<16xf32> to vector<1x16xf32>
      tpu.vector_store %arg9[%swap3A_473, %swap3A_474], %swap3A_477 {strides = array<i32>} : memref<80x128xf32, #tpu.memory_space<vmem>>, vector<1x16xf32>,
      %swap3A_478 = arith.index_cast %scan3A_447 : i32 to index
      %swap3A_479 = arith.constant 96 : index
      %swap3A_480 = tpu.vector_load %arg9[%swap3A_478, %swap3A_479] {strides = array<i32>} : memref<80x128xf32, #tpu.memory_space<vmem>>, vector<1x16xf32>,
      %swap3A_481 = vector.shape_cast %swap3A_480 : vector<1x16xf32> to vector<16xf32>
      %swap3A_482 = vector.shape_cast %broadcast_in_dim3A_394 : vector<16xf32> to vector<1x16xf32>
      tpu.vector_store %arg9[%swap3A_478, %swap3A_479], %swap3A_482 {strides = array<i32>} : memref<80x128xf32, #tpu.memory_space<vmem>>, vector<1x16xf32>,
      %swap3A_483 = arith.index_cast %scan3A_447 : i32 to index
      %swap3A_484 = arith.constant 112 : index
      %swap3A_485 = tpu.vector_load %arg9[%swap3A_483, %swap3A_484] {strides = array<i32>} : memref<80x128xf32, #tpu.memory_space<vmem>>, vector<1x16xf32>,
      %swap3A_486 = vector.shape_cast %swap3A_485 : vector<1x16xf32> to vector<16xf32>
      %swap3A_487 = vector.shape_cast %broadcast_in_dim3A_394 : vector<16xf32> to vector<1x16xf32>
      tpu.vector_store %arg9[%swap3A_483, %swap3A_484], %swap3A_487 {strides = array<i32>} : memref<80x128xf32, #tpu.memory_space<vmem>>, vector<1x16xf32>,
    }
    %scan3A_399 = arith.constant 80 : i32
    %mul3A_400 = arith.constant 632 : i32
    %mul3A_401 = arith.muli %arg1, %mul3A_400 : i32
    %add3A_402 = arith.constant 0 : i32
    %add3A_403 = arith.addi %mul3A_401, %add3A_402 : i32
    "tpu.region"() ({
      %run_scoped3A_447 = tpu.sem_alloc : memref<!tpu.dma_semaphore, #tpu.memory_space<semaphore_mem>>
      %dma_start3A_448 = arith.constant 0 : i32
      %dma_start3A_449 = tpu.memref_slice %arg5[%add3A_403, %dma_start3A_448] : memref<10112x128xf32, #tpu.memory_space<vmem_shared>> -> memref<80x128xf32, #tpu.memory_space<vmem_shared>>
      %dma_start3A_450 = arith.constant 0 : i32
      %dma_start3A_451 = tpu.memref_slice %arg5[%add3A_403, %dma_start3A_450] : memref<10112x128xf32, #tpu.memory_space<vmem_shared>> -> memref<80x128xf32, #tpu.memory_space<vmem_shared>>
      tpu.enqueue_dma source(%arg9 : memref<80x128xf32, #tpu.memory_space<vmem>>) target(%dma_start3A_451 : memref<80x128xf32, #tpu.memory_space<vmem_shared>>) target_semaphore(%run_scoped3A_447 : memref<!tpu.dma_semaphore, #tpu.memory_space<semaphore_mem>>)
      %dma_wait3A_452 = arith.constant 0 : i32
      %dma_wait3A_453 = tpu.memref_slice %arg5[%add3A_403, %dma_wait3A_452] : memref<10112x128xf32, #tpu.memory_space<vmem_shared>> -> memref<80x128xf32, #tpu.memory_space<vmem_shared>>
      %dma_wait3A_454 = arith.constant 0 : i32
      %dma_wait3A_455 = tpu.memref_slice %arg5[%add3A_403, %dma_wait3A_454] : memref<10112x128xf32, #tpu.memory_space<vmem_shared>> -> memref<80x128xf32, #tpu.memory_space<vmem_shared>>
      tpu.wait_dma2 semaphore(%run_scoped3A_447 : memref<!tpu.dma_semaphore, #tpu.memory_space<semaphore_mem>>) src(%arg9 : memref<80x128xf32, #tpu.memory_space<vmem>>) dst(%dma_wait3A_455 : memref<80x128xf32, #tpu.memory_space<vmem_shared>>)
      tpu.yield
    }) : () -> ()
    %add3A_404 = arith.constant 80 : i32
    %add3A_405 = arith.addi %mul3A_401, %add3A_404 : i32
    "tpu.region"() ({
      %run_scoped3A_447 = tpu.sem_alloc : memref<!tpu.dma_semaphore, #tpu.memory_space<semaphore_mem>>
      %dma_start3A_448 = arith.constant 0 : i32
      %dma_start3A_449 = tpu.memref_slice %arg5[%add3A_405, %dma_start3A_448] : memref<10112x128xf32, #tpu.memory_space<vmem_shared>> -> memref<80x128xf32, #tpu.memory_space<vmem_shared>>
      %dma_start3A_450 = arith.constant 0 : i32
      %dma_start3A_451 = tpu.memref_slice %arg5[%add3A_405, %dma_start3A_450] : memref<10112x128xf32, #tpu.memory_space<vmem_shared>> -> memref<80x128xf32, #tpu.memory_space<vmem_shared>>
      tpu.enqueue_dma source(%arg9 : memref<80x128xf32, #tpu.memory_space<vmem>>) target(%dma_start3A_451 : memref<80x128xf32, #tpu.memory_space<vmem_shared>>) target_semaphore(%run_scoped3A_447 : memref<!tpu.dma_semaphore, #tpu.memory_space<semaphore_mem>>)
      %dma_wait3A_452 = arith.constant 0 : i32
      %dma_wait3A_453 = tpu.memref_slice %arg5[%add3A_405, %dma_wait3A_452] : memref<10112x128xf32, #tpu.memory_space<vmem_shared>> -> memref<80x128xf32, #tpu.memory_space<vmem_shared>>
      %dma_wait3A_454 = arith.constant 0 : i32
      %dma_wait3A_455 = tpu.memref_slice %arg5[%add3A_405, %dma_wait3A_454] : memref<10112x128xf32, #tpu.memory_space<vmem_shared>> -> memref<80x128xf32, #tpu.memory_space<vmem_shared>>
      tpu.wait_dma2 semaphore(%run_scoped3A_447 : memref<!tpu.dma_semaphore, #tpu.memory_space<semaphore_mem>>) src(%arg9 : memref<80x128xf32, #tpu.memory_space<vmem>>) dst(%dma_wait3A_455 : memref<80x128xf32, #tpu.memory_space<vmem_shared>>)
      tpu.yield
    }) : () -> ()
    %add3A_406 = arith.constant 160 : i32
    %add3A_407 = arith.addi %mul3A_401, %add3A_406 : i32
    "tpu.region"() ({
      %run_scoped3A_447 = tpu.sem_alloc : memref<!tpu.dma_semaphore, #tpu.memory_space<semaphore_mem>>
      %dma_start3A_448 = arith.constant 0 : i32
      %dma_start3A_449 = tpu.memref_slice %arg5[%add3A_407, %dma_start3A_448] : memref<10112x128xf32, #tpu.memory_space<vmem_shared>> -> memref<80x128xf32, #tpu.memory_space<vmem_shared>>
      %dma_start3A_450 = arith.constant 0 : i32
      %dma_start3A_451 = tpu.memref_slice %arg5[%add3A_407, %dma_start3A_450] : memref<10112x128xf32, #tpu.memory_space<vmem_shared>> -> memref<80x128xf32, #tpu.memory_space<vmem_shared>>
      tpu.enqueue_dma source(%arg9 : memref<80x128xf32, #tpu.memory_space<vmem>>) target(%dma_start3A_451 : memref<80x128xf32, #tpu.memory_space<vmem_shared>>) target_semaphore(%run_scoped3A_447 : memref<!tpu.dma_semaphore, #tpu.memory_space<semaphore_mem>>)
      %dma_wait3A_452 = arith.constant 0 : i32
      %dma_wait3A_453 = tpu.memref_slice %arg5[%add3A_407, %dma_wait3A_452] : memref<10112x128xf32, #tpu.memory_space<vmem_shared>> -> memref<80x128xf32, #tpu.memory_space<vmem_shared>>
      %dma_wait3A_454 = arith.constant 0 : i32
      %dma_wait3A_455 = tpu.memref_slice %arg5[%add3A_407, %dma_wait3A_454] : memref<10112x128xf32, #tpu.memory_space<vmem_shared>> -> memref<80x128xf32, #tpu.memory_space<vmem_shared>>
      tpu.wait_dma2 semaphore(%run_scoped3A_447 : memref<!tpu.dma_semaphore, #tpu.memory_space<semaphore_mem>>) src(%arg9 : memref<80x128xf32, #tpu.memory_space<vmem>>) dst(%dma_wait3A_455 : memref<80x128xf32, #tpu.memory_space<vmem_shared>>)
      tpu.yield
    }) : () -> ()
    %add3A_408 = arith.constant 240 : i32
    %add3A_409 = arith.addi %mul3A_401, %add3A_408 : i32
    "tpu.region"() ({
      %run_scoped3A_447 = tpu.sem_alloc : memref<!tpu.dma_semaphore, #tpu.memory_space<semaphore_mem>>
      %dma_start3A_448 = arith.constant 0 : i32
      %dma_start3A_449 = tpu.memref_slice %arg5[%add3A_409, %dma_start3A_448] : memref<10112x128xf32, #tpu.memory_space<vmem_shared>> -> memref<80x128xf32, #tpu.memory_space<vmem_shared>>
      %dma_start3A_450 = arith.constant 0 : i32
      %dma_start3A_451 = tpu.memref_slice %arg5[%add3A_409, %dma_start3A_450] : memref<10112x128xf32, #tpu.memory_space<vmem_shared>> -> memref<80x128xf32, #tpu.memory_space<vmem_shared>>
      tpu.enqueue_dma source(%arg9 : memref<80x128xf32, #tpu.memory_space<vmem>>) target(%dma_start3A_451 : memref<80x128xf32, #tpu.memory_space<vmem_shared>>) target_semaphore(%run_scoped3A_447 : memref<!tpu.dma_semaphore, #tpu.memory_space<semaphore_mem>>)
      %dma_wait3A_452 = arith.constant 0 : i32
      %dma_wait3A_453 = tpu.memref_slice %arg5[%add3A_409, %dma_wait3A_452] : memref<10112x128xf32, #tpu.memory_space<vmem_shared>> -> memref<80x128xf32, #tpu.memory_space<vmem_shared>>
      %dma_wait3A_454 = arith.constant 0 : i32
      %dma_wait3A_455 = tpu.memref_slice %arg5[%add3A_409, %dma_wait3A_454] : memref<10112x128xf32, #tpu.memory_space<vmem_shared>> -> memref<80x128xf32, #tpu.memory_space<vmem_shared>>
      tpu.wait_dma2 semaphore(%run_scoped3A_447 : memref<!tpu.dma_semaphore, #tpu.memory_space<semaphore_mem>>) src(%arg9 : memref<80x128xf32, #tpu.memory_space<vmem>>) dst(%dma_wait3A_455 : memref<80x128xf32, #tpu.memory_space<vmem_shared>>)
      tpu.yield
    }) : () -> ()
    %add3A_410 = arith.constant 320 : i32
    %add3A_411 = arith.addi %mul3A_401, %add3A_410 : i32
    "tpu.region"() ({
      %run_scoped3A_447 = tpu.sem_alloc : memref<!tpu.dma_semaphore, #tpu.memory_space<semaphore_mem>>
      %dma_start3A_448 = arith.constant 0 : i32
      %dma_start3A_449 = tpu.memref_slice %arg5[%add3A_411, %dma_start3A_448] : memref<10112x128xf32, #tpu.memory_space<vmem_shared>> -> memref<80x128xf32, #tpu.memory_space<vmem_shared>>
      %dma_start3A_450 = arith.constant 0 : i32
      %dma_start3A_451 = tpu.memref_slice %arg5[%add3A_411, %dma_start3A_450] : memref<10112x128xf32, #tpu.memory_space<vmem_shared>> -> memref<80x128xf32, #tpu.memory_space<vmem_shared>>
      tpu.enqueue_dma source(%arg9 : memref<80x128xf32, #tpu.memory_space<vmem>>) target(%dma_start3A_451 : memref<80x128xf32, #tpu.memory_space<vmem_shared>>) target_semaphore(%run_scoped3A_447 : memref<!tpu.dma_semaphore, #tpu.memory_space<semaphore_mem>>)
      %dma_wait3A_452 = arith.constant 0 : i32
      %dma_wait3A_453 = tpu.memref_slice %arg5[%add3A_411, %dma_wait3A_452] : memref<10112x128xf32, #tpu.memory_space<vmem_shared>> -> memref<80x128xf32, #tpu.memory_space<vmem_shared>>
      %dma_wait3A_454 = arith.constant 0 : i32
      %dma_wait3A_455 = tpu.memref_slice %arg5[%add3A_411, %dma_wait3A_454] : memref<10112x128xf32, #tpu.memory_space<vmem_shared>> -> memref<80x128xf32, #tpu.memory_space<vmem_shared>>
      tpu.wait_dma2 semaphore(%run_scoped3A_447 : memref<!tpu.dma_semaphore, #tpu.memory_space<semaphore_mem>>) src(%arg9 : memref<80x128xf32, #tpu.memory_space<vmem>>) dst(%dma_wait3A_455 : memref<80x128xf32, #tpu.memory_space<vmem_shared>>)
      tpu.yield
    }) : () -> ()
    %add3A_412 = arith.constant 400 : i32
    %add3A_413 = arith.addi %mul3A_401, %add3A_412 : i32
    "tpu.region"() ({
      %run_scoped3A_447 = tpu.sem_alloc : memref<!tpu.dma_semaphore, #tpu.memory_space<semaphore_mem>>
      %dma_start3A_448 = arith.constant 0 : i32
      %dma_start3A_449 = tpu.memref_slice %arg5[%add3A_413, %dma_start3A_448] : memref<10112x128xf32, #tpu.memory_space<vmem_shared>> -> memref<80x128xf32, #tpu.memory_space<vmem_shared>>
      %dma_start3A_450 = arith.constant 0 : i32
      %dma_start3A_451 = tpu.memref_slice %arg5[%add3A_413, %dma_start3A_450] : memref<10112x128xf32, #tpu.memory_space<vmem_shared>> -> memref<80x128xf32, #tpu.memory_space<vmem_shared>>
      tpu.enqueue_dma source(%arg9 : memref<80x128xf32, #tpu.memory_space<vmem>>) target(%dma_start3A_451 : memref<80x128xf32, #tpu.memory_space<vmem_shared>>) target_semaphore(%run_scoped3A_447 : memref<!tpu.dma_semaphore, #tpu.memory_space<semaphore_mem>>)
      %dma_wait3A_452 = arith.constant 0 : i32
      %dma_wait3A_453 = tpu.memref_slice %arg5[%add3A_413, %dma_wait3A_452] : memref<10112x128xf32, #tpu.memory_space<vmem_shared>> -> memref<80x128xf32, #tpu.memory_space<vmem_shared>>
      %dma_wait3A_454 = arith.constant 0 : i32
      %dma_wait3A_455 = tpu.memref_slice %arg5[%add3A_413, %dma_wait3A_454] : memref<10112x128xf32, #tpu.memory_space<vmem_shared>> -> memref<80x128xf32, #tpu.memory_space<vmem_shared>>
      tpu.wait_dma2 semaphore(%run_scoped3A_447 : memref<!tpu.dma_semaphore, #tpu.memory_space<semaphore_mem>>) src(%arg9 : memref<80x128xf32, #tpu.memory_space<vmem>>) dst(%dma_wait3A_455 : memref<80x128xf32, #tpu.memory_space<vmem_shared>>)
      tpu.yield
    }) : () -> ()
    %add3A_414 = arith.constant 480 : i32
    %add3A_415 = arith.addi %mul3A_401, %add3A_414 : i32
    "tpu.region"() ({
      %run_scoped3A_447 = tpu.sem_alloc : memref<!tpu.dma_semaphore, #tpu.memory_space<semaphore_mem>>
      %dma_start3A_448 = arith.constant 0 : i32
      %dma_start3A_449 = tpu.memref_slice %arg5[%add3A_415, %dma_start3A_448] : memref<10112x128xf32, #tpu.memory_space<vmem_shared>> -> memref<80x128xf32, #tpu.memory_space<vmem_shared>>
      %dma_start3A_450 = arith.constant 0 : i32
      %dma_start3A_451 = tpu.memref_slice %arg5[%add3A_415, %dma_start3A_450] : memref<10112x128xf32, #tpu.memory_space<vmem_shared>> -> memref<80x128xf32, #tpu.memory_space<vmem_shared>>
      tpu.enqueue_dma source(%arg9 : memref<80x128xf32, #tpu.memory_space<vmem>>) target(%dma_start3A_451 : memref<80x128xf32, #tpu.memory_space<vmem_shared>>) target_semaphore(%run_scoped3A_447 : memref<!tpu.dma_semaphore, #tpu.memory_space<semaphore_mem>>)
      %dma_wait3A_452 = arith.constant 0 : i32
      %dma_wait3A_453 = tpu.memref_slice %arg5[%add3A_415, %dma_wait3A_452] : memref<10112x128xf32, #tpu.memory_space<vmem_shared>> -> memref<80x128xf32, #tpu.memory_space<vmem_shared>>
      %dma_wait3A_454 = arith.constant 0 : i32
      %dma_wait3A_455 = tpu.memref_slice %arg5[%add3A_415, %dma_wait3A_454] : memref<10112x128xf32, #tpu.memory_space<vmem_shared>> -> memref<80x128xf32, #tpu.memory_space<vmem_shared>>
      tpu.wait_dma2 semaphore(%run_scoped3A_447 : memref<!tpu.dma_semaphore, #tpu.memory_space<semaphore_mem>>) src(%arg9 : memref<80x128xf32, #tpu.memory_space<vmem>>) dst(%dma_wait3A_455 : memref<80x128xf32, #tpu.memory_space<vmem_shared>>)
      tpu.yield
    }) : () -> ()
    %add3A_416 = arith.constant 632 : i32
    %add3A_417 = arith.addi %mul3A_401, %add3A_416 : i32
    %sub3A = arith.constant 72 : i32
    %sub3A_418 = arith.subi %add3A_417, %sub3A : i32
    "tpu.region"() ({
      %run_scoped3A_447 = tpu.sem_alloc : memref<!tpu.dma_semaphore, #tpu.memory_space<semaphore_mem>>
      %dma_start3A_448 = arith.constant 0 : i32
      %dma_start3A_449 = arith.constant 0 : i32
      %dma_start3A_450 = tpu.memref_slice %arg9[%dma_start3A_448, %dma_start3A_449] : memref<80x128xf32, #tpu.memory_space<vmem>> -> memref<72x128xf32, #tpu.memory_space<vmem>>
      %dma_start3A_451 = arith.constant 0 : i32
      %dma_start3A_452 = tpu.memref_slice %arg5[%sub3A_418, %dma_start3A_451] : memref<10112x128xf32, #tpu.memory_space<vmem_shared>> -> memref<72x128xf32, #tpu.memory_space<vmem_shared>>
      %dma_start3A_453 = arith.constant 0 : i32
      %dma_start3A_454 = tpu.memref_slice %arg5[%sub3A_418, %dma_start3A_453] : memref<10112x128xf32, #tpu.memory_space<vmem_shared>> -> memref<72x128xf32, #tpu.memory_space<vmem_shared>>
      %dma_start3A_455 = arith.constant 0 : i32
      %dma_start3A_456 = arith.constant 0 : i32
      %dma_start3A_457 = tpu.memref_slice %arg9[%dma_start3A_455, %dma_start3A_456] : memref<80x128xf32, #tpu.memory_space<vmem>> -> memref<72x128xf32, #tpu.memory_space<vmem>>
      tpu.enqueue_dma source(%dma_start3A_457 : memref<72x128xf32, #tpu.memory_space<vmem>>) target(%dma_start3A_454 : memref<72x128xf32, #tpu.memory_space<vmem_shared>>) target_semaphore(%run_scoped3A_447 : memref<!tpu.dma_semaphore, #tpu.memory_space<semaphore_mem>>)
      %dma_wait3A_458 = arith.constant 0 : i32
      %dma_wait3A_459 = arith.constant 0 : i32
      %dma_wait3A_460 = tpu.memref_slice %arg9[%dma_wait3A_458, %dma_wait3A_459] : memref<80x128xf32, #tpu.memory_space<vmem>> -> memref<72x128xf32, #tpu.memory_space<vmem>>
      %dma_wait3A_461 = arith.constant 0 : i32
      %dma_wait3A_462 = tpu.memref_slice %arg5[%sub3A_418, %dma_wait3A_461] : memref<10112x128xf32, #tpu.memory_space<vmem_shared>> -> memref<72x128xf32, #tpu.memory_space<vmem_shared>>
      %dma_wait3A_463 = arith.constant 0 : i32
      %dma_wait3A_464 = tpu.memref_slice %arg5[%sub3A_418, %dma_wait3A_463] : memref<10112x128xf32, #tpu.memory_space<vmem_shared>> -> memref<72x128xf32, #tpu.memory_space<vmem_shared>>
      %dma_wait3A_465 = arith.constant 0 : i32
      %dma_wait3A_466 = arith.constant 0 : i32
      %dma_wait3A_467 = tpu.memref_slice %arg9[%dma_wait3A_465, %dma_wait3A_466] : memref<80x128xf32, #tpu.memory_space<vmem>> -> memref<72x128xf32, #tpu.memory_space<vmem>>
      tpu.wait_dma2 semaphore(%run_scoped3A_447 : memref<!tpu.dma_semaphore, #tpu.memory_space<semaphore_mem>>) src(%dma_wait3A_467 : memref<72x128xf32, #tpu.memory_space<vmem>>) dst(%dma_wait3A_464 : memref<72x128xf32, #tpu.memory_space<vmem_shared>>)
      tpu.yield
    }) : () -> ()
    %dma_start3A_419 = arith.constant 0 : i32
    %dma_start3A_420 = arith.constant 0 : i32
    %dma_start3A_421 = tpu.memref_slice %arg7[%dma_start3A_419, %dma_start3A_420] : memref<8x80xi32, #tpu.memory_space<vmem>> -> memref<1x80xi32, #tpu.memory_space<vmem>>
    %dma_start3A_422 = tpu.memref_squeeze %dma_start3A_421 : memref<1x80xi32, #tpu.memory_space<vmem>> -> memref<80xi32, #tpu.memory_space<vmem>>
    %dma_start3A_423 = arith.constant 0 : i32
    %dma_start3A_424 = arith.constant 0 : i32
    %dma_start3A_425 = tpu.memref_slice %arg2[%dma_start3A_423, %dma_start3A_424] : memref<10000x128xf32, #tpu.memory_space<hbm>> -> memref<10000x128xf32, #tpu.memory_space<hbm>>
    tpu.enqueue_indirect_dma source(%dma_start3A_425 : memref<10000x128xf32, #tpu.memory_space<hbm>>) target(%arg9 : memref<80x128xf32, #tpu.memory_space<vmem>>) offsets(%dma_start3A_422 : memref<80xi32, #tpu.memory_space<vmem>>) semaphore(%arg12 : memref<!tpu.dma_semaphore, #tpu.memory_space<semaphore_mem>>)
    %barrier3A = arith.constant 0 : index
    tpu.barrier barrier_id(%barrier3A)
    %scan3A_426 = arith.constant 0 : i32
    %scan3A_427 = arith.constant 0 : i32
    %scan3A_428 = arith.constant 41 : i32
    %scan3A_429 = arith.addi %scan3A_427, %scan3A_428 : i32
    %scan3A_430 = arith.constant 1 : i32
    scf.for %scan3A_447 = %scan3A_427 to %scan3A_429 step %scan3A_430  : i32 {
      %mul3A_448 = arith.constant 3 : i32
      %mul3A_449 = arith.muli %scan3A_447, %mul3A_448 : i32
      %add3A_450 = arith.constant 0 : i32
      %add3A_451 = arith.addi %mul3A_449, %add3A_450 : i32
      %dma_wait3A_452 = arith.constant 0 : i32
      %dma_wait3A_453 = arith.constant 0 : i32
      %dma_wait3A_454 = tpu.memref_slice %arg7[%dma_wait3A_452, %dma_wait3A_453] : memref<8x80xi32, #tpu.memory_space<vmem>> -> memref<1x80xi32, #tpu.memory_space<vmem>>
      %dma_wait3A_455 = tpu.memref_squeeze %dma_wait3A_454 : memref<1x80xi32, #tpu.memory_space<vmem>> -> memref<80xi32, #tpu.memory_space<vmem>>
      %dma_wait3A_456 = arith.constant 0 : i32
      %dma_wait3A_457 = arith.constant 0 : i32
      %dma_wait3A_458 = tpu.memref_slice %arg2[%dma_wait3A_456, %dma_wait3A_457] : memref<10000x128xf32, #tpu.memory_space<hbm>> -> memref<10000x128xf32, #tpu.memory_space<hbm>>
      tpu.wait_indirect_dma semaphore(%arg12 : memref<!tpu.dma_semaphore, #tpu.memory_space<semaphore_mem>>) src(%dma_wait3A_458 : memref<10000x128xf32, #tpu.memory_space<hbm>>) dst(%arg9 : memref<80x128xf32, #tpu.memory_space<vmem>>)
      %and3A_459 = arith.constant 7 : i32
      %and3A_460 = arith.andi %add3A_451, %and3A_459 : i32
      "tpu.region"() ({
        %run_scoped3A_514 = tpu.sem_alloc : memref<!tpu.dma_semaphore, #tpu.memory_space<semaphore_mem>>
        %dma_start3A_515 = arith.constant 0 : i32
        %dma_start3A_516 = tpu.memref_slice %arg8[%and3A_460, %dma_start3A_515] : memref<8x80xi32, #tpu.memory_space<vmem>> -> memref<1x80xi32, #tpu.memory_space<vmem>>
        %dma_start3A_517 = tpu.memref_squeeze %dma_start3A_516 : memref<1x80xi32, #tpu.memory_space<vmem>> -> memref<80xi32, #tpu.memory_space<vmem>>
        %dma_start3A_518 = arith.constant 0 : i32
        %dma_start3A_519 = arith.constant 0 : i32
        %dma_start3A_520 = tpu.memref_slice %arg5[%dma_start3A_518, %dma_start3A_519] : memref<10112x128xf32, #tpu.memory_space<vmem_shared>> -> memref<10112x128xf32, #tpu.memory_space<vmem_shared>>
        tpu.enqueue_indirect_dma source(%arg9 : memref<80x128xf32, #tpu.memory_space<vmem>>) target(%dma_start3A_520 : memref<10112x128xf32, #tpu.memory_space<vmem_shared>>) offsets(%dma_start3A_517 : memref<80xi32, #tpu.memory_space<vmem>>) semaphore(%run_scoped3A_514 : memref<!tpu.dma_semaphore, #tpu.memory_space<semaphore_mem>>) {add = true}
        %dma_wait3A_521 = arith.constant 0 : i32
        %dma_wait3A_522 = tpu.memref_slice %arg8[%and3A_460, %dma_wait3A_521] : memref<8x80xi32, #tpu.memory_space<vmem>> -> memref<1x80xi32, #tpu.memory_space<vmem>>
        %dma_wait3A_523 = tpu.memref_squeeze %dma_wait3A_522 : memref<1x80xi32, #tpu.memory_space<vmem>> -> memref<80xi32, #tpu.memory_space<vmem>>
        %dma_wait3A_524 = arith.constant 0 : i32
        %dma_wait3A_525 = arith.constant 0 : i32
        %dma_wait3A_526 = tpu.memref_slice %arg5[%dma_wait3A_524, %dma_wait3A_525] : memref<10112x128xf32, #tpu.memory_space<vmem_shared>> -> memref<10112x128xf32, #tpu.memory_space<vmem_shared>>
        tpu.wait_indirect_dma semaphore(%run_scoped3A_514 : memref<!tpu.dma_semaphore, #tpu.memory_space<semaphore_mem>>) src(%arg9 : memref<80x128xf32, #tpu.memory_space<vmem>>) dst(%dma_wait3A_526 : memref<10112x128xf32, #tpu.memory_space<vmem_shared>>)
        tpu.yield
      }) : () -> ()
      %lt3A = arith.constant 121 : i32
      %lt3A_461 = arith.cmpi slt, %add3A_451, %lt3A : i32
      %convert_element_type3A = arith.extui %lt3A_461 : i1 to i32
      %cond3A = arith.constant 0 : i32
      %cond3A_462 = arith.cmpi ne, %convert_element_type3A, %cond3A : i32
      scf.if %cond3A_462 {
        %add3A_514 = arith.constant 4 : i32
        %add3A_515 = arith.addi %add3A_451, %add3A_514 : i32
        %add3A_516 = arith.constant 4 : i32
        %add3A_517 = arith.addi %add3A_451, %add3A_516 : i32
        %and3A_518 = arith.constant 7 : i32
        %and3A_519 = arith.andi %add3A_517, %and3A_518 : i32
        %get3A_520 = arith.index_cast %add3A_515 : i32 to index
        %get3A_521 = arith.constant 0 : index
        %get3A_522 = tpu.vector_load %arg6[%get3A_520, %get3A_521] {strides = array<i32>} : memref<125x80xi32, #tpu.memory_space<vmem>>, vector<1x16xi32>,
        %get3A_523 = vector.shape_cast %get3A_522 : vector<1x16xi32> to vector<16xi32>
        %and3A_524 = arith.andi %get3A_523, %broadcast_in_dim3A_1 : vector<16xi32>
        %swap3A_525 = arith.index_cast %and3A_519 : i32 to index
        %swap3A_526 = arith.constant 0 : index
        %swap3A_527 = tpu.vector_load %arg7[%swap3A_525, %swap3A_526] {strides = array<i32>} : memref<8x80xi32, #tpu.memory_space<vmem>>, vector<1x16xi32>,
        %swap3A_528 = vector.shape_cast %swap3A_527 : vector<1x16xi32> to vector<16xi32>
        %swap3A_529 = vector.shape_cast %and3A_524 : vector<16xi32> to vector<1x16xi32>
        tpu.vector_store %arg7[%swap3A_525, %swap3A_526], %swap3A_529 {strides = array<i32>} : memref<8x80xi32, #tpu.memory_space<vmem>>, vector<1x16xi32>,
        %shift_right_logical3A_530 = arith.shrui %get3A_523, %broadcast_in_dim3A_3 : vector<16xi32>
        %swap3A_531 = arith.index_cast %and3A_519 : i32 to index
        %swap3A_532 = arith.constant 0 : index
        %swap3A_533 = tpu.vector_load %arg8[%swap3A_531, %swap3A_532] {strides = array<i32>} : memref<8x80xi32, #tpu.memory_space<vmem>>, vector<1x16xi32>,
        %swap3A_534 = vector.shape_cast %swap3A_533 : vector<1x16xi32> to vector<16xi32>
        %swap3A_535 = vector.shape_cast %shift_right_logical3A_530 : vector<16xi32> to vector<1x16xi32>
        tpu.vector_store %arg8[%swap3A_531, %swap3A_532], %swap3A_535 {strides = array<i32>} : memref<8x80xi32, #tpu.memory_space<vmem>>, vector<1x16xi32>,
        %get3A_536 = arith.index_cast %add3A_515 : i32 to index
        %get3A_537 = arith.constant 16 : index
        %get3A_538 = tpu.vector_load %arg6[%get3A_536, %get3A_537] {strides = array<i32>} : memref<125x80xi32, #tpu.memory_space<vmem>>, vector<1x16xi32>,
        %get3A_539 = vector.shape_cast %get3A_538 : vector<1x16xi32> to vector<16xi32>
        %and3A_540 = arith.andi %get3A_539, %broadcast_in_dim3A_1 : vector<16xi32>
        %swap3A_541 = arith.index_cast %and3A_519 : i32 to index
        %swap3A_542 = arith.constant 16 : index
        %swap3A_543 = tpu.vector_load %arg7[%swap3A_541, %swap3A_542] {strides = array<i32>} : memref<8x80xi32, #tpu.memory_space<vmem>>, vector<1x16xi32>,
        %swap3A_544 = vector.shape_cast %swap3A_543 : vector<1x16xi32> to vector<16xi32>
        %swap3A_545 = vector.shape_cast %and3A_540 : vector<16xi32> to vector<1x16xi32>
        tpu.vector_store %arg7[%swap3A_541, %swap3A_542], %swap3A_545 {strides = array<i32>} : memref<8x80xi32, #tpu.memory_space<vmem>>, vector<1x16xi32>,
        %shift_right_logical3A_546 = arith.shrui %get3A_539, %broadcast_in_dim3A_3 : vector<16xi32>
        %swap3A_547 = arith.index_cast %and3A_519 : i32 to index
        %swap3A_548 = arith.constant 16 : index
        %swap3A_549 = tpu.vector_load %arg8[%swap3A_547, %swap3A_548] {strides = array<i32>} : memref<8x80xi32, #tpu.memory_space<vmem>>, vector<1x16xi32>,
        %swap3A_550 = vector.shape_cast %swap3A_549 : vector<1x16xi32> to vector<16xi32>
        %swap3A_551 = vector.shape_cast %shift_right_logical3A_546 : vector<16xi32> to vector<1x16xi32>
        tpu.vector_store %arg8[%swap3A_547, %swap3A_548], %swap3A_551 {strides = array<i32>} : memref<8x80xi32, #tpu.memory_space<vmem>>, vector<1x16xi32>,
        %get3A_552 = arith.index_cast %add3A_515 : i32 to index
        %get3A_553 = arith.constant 32 : index
        %get3A_554 = tpu.vector_load %arg6[%get3A_552, %get3A_553] {strides = array<i32>} : memref<125x80xi32, #tpu.memory_space<vmem>>, vector<1x16xi32>,
        %get3A_555 = vector.shape_cast %get3A_554 : vector<1x16xi32> to vector<16xi32>
        %and3A_556 = arith.andi %get3A_555, %broadcast_in_dim3A_1 : vector<16xi32>
        %swap3A_557 = arith.index_cast %and3A_519 : i32 to index
        %swap3A_558 = arith.constant 32 : index
        %swap3A_559 = tpu.vector_load %arg7[%swap3A_557, %swap3A_558] {strides = array<i32>} : memref<8x80xi32, #tpu.memory_space<vmem>>, vector<1x16xi32>,
        %swap3A_560 = vector.shape_cast %swap3A_559 : vector<1x16xi32> to vector<16xi32>
        %swap3A_561 = vector.shape_cast %and3A_556 : vector<16xi32> to vector<1x16xi32>
        tpu.vector_store %arg7[%swap3A_557, %swap3A_558], %swap3A_561 {strides = array<i32>} : memref<8x80xi32, #tpu.memory_space<vmem>>, vector<1x16xi32>,
        %shift_right_logical3A_562 = arith.shrui %get3A_555, %broadcast_in_dim3A_3 : vector<16xi32>
        %swap3A_563 = arith.index_cast %and3A_519 : i32 to index
        %swap3A_564 = arith.constant 32 : index
        %swap3A_565 = tpu.vector_load %arg8[%swap3A_563, %swap3A_564] {strides = array<i32>} : memref<8x80xi32, #tpu.memory_space<vmem>>, vector<1x16xi32>,
        %swap3A_566 = vector.shape_cast %swap3A_565 : vector<1x16xi32> to vector<16xi32>
        %swap3A_567 = vector.shape_cast %shift_right_logical3A_562 : vector<16xi32> to vector<1x16xi32>
        tpu.vector_store %arg8[%swap3A_563, %swap3A_564], %swap3A_567 {strides = array<i32>} : memref<8x80xi32, #tpu.memory_space<vmem>>, vector<1x16xi32>,
        %get3A_568 = arith.index_cast %add3A_515 : i32 to index
        %get3A_569 = arith.constant 48 : index
        %get3A_570 = tpu.vector_load %arg6[%get3A_568, %get3A_569] {strides = array<i32>} : memref<125x80xi32, #tpu.memory_space<vmem>>, vector<1x16xi32>,
        %get3A_571 = vector.shape_cast %get3A_570 : vector<1x16xi32> to vector<16xi32>
        %and3A_572 = arith.andi %get3A_571, %broadcast_in_dim3A_1 : vector<16xi32>
        %swap3A_573 = arith.index_cast %and3A_519 : i32 to index
        %swap3A_574 = arith.constant 48 : index
        %swap3A_575 = tpu.vector_load %arg7[%swap3A_573, %swap3A_574] {strides = array<i32>} : memref<8x80xi32, #tpu.memory_space<vmem>>, vector<1x16xi32>,
        %swap3A_576 = vector.shape_cast %swap3A_575 : vector<1x16xi32> to vector<16xi32>
        %swap3A_577 = vector.shape_cast %and3A_572 : vector<16xi32> to vector<1x16xi32>
        tpu.vector_store %arg7[%swap3A_573, %swap3A_574], %swap3A_577 {strides = array<i32>} : memref<8x80xi32, #tpu.memory_space<vmem>>, vector<1x16xi32>,
        %shift_right_logical3A_578 = arith.shrui %get3A_571, %broadcast_in_dim3A_3 : vector<16xi32>
        %swap3A_579 = arith.index_cast %and3A_519 : i32 to index
        %swap3A_580 = arith.constant 48 : index
        %swap3A_581 = tpu.vector_load %arg8[%swap3A_579, %swap3A_580] {strides = array<i32>} : memref<8x80xi32, #tpu.memory_space<vmem>>, vector<1x16xi32>,
        %swap3A_582 = vector.shape_cast %swap3A_581 : vector<1x16xi32> to vector<16xi32>
        %swap3A_583 = vector.shape_cast %shift_right_logical3A_578 : vector<16xi32> to vector<1x16xi32>
        tpu.vector_store %arg8[%swap3A_579, %swap3A_580], %swap3A_583 {strides = array<i32>} : memref<8x80xi32, #tpu.memory_space<vmem>>, vector<1x16xi32>,
        %get3A_584 = arith.index_cast %add3A_515 : i32 to index
        %get3A_585 = arith.constant 64 : index
        %get3A_586 = tpu.vector_load %arg6[%get3A_584, %get3A_585] {strides = array<i32>} : memref<125x80xi32, #tpu.memory_space<vmem>>, vector<1x16xi32>,
        %get3A_587 = vector.shape_cast %get3A_586 : vector<1x16xi32> to vector<16xi32>
        %and3A_588 = arith.andi %get3A_587, %broadcast_in_dim3A_1 : vector<16xi32>
        %swap3A_589 = arith.index_cast %and3A_519 : i32 to index
        %swap3A_590 = arith.constant 64 : index
        %swap3A_591 = tpu.vector_load %arg7[%swap3A_589, %swap3A_590] {strides = array<i32>} : memref<8x80xi32, #tpu.memory_space<vmem>>, vector<1x16xi32>,
        %swap3A_592 = vector.shape_cast %swap3A_591 : vector<1x16xi32> to vector<16xi32>
        %swap3A_593 = vector.shape_cast %and3A_588 : vector<16xi32> to vector<1x16xi32>
        tpu.vector_store %arg7[%swap3A_589, %swap3A_590], %swap3A_593 {strides = array<i32>} : memref<8x80xi32, #tpu.memory_space<vmem>>, vector<1x16xi32>,
        %shift_right_logical3A_594 = arith.shrui %get3A_587, %broadcast_in_dim3A_3 : vector<16xi32>
        %swap3A_595 = arith.index_cast %and3A_519 : i32 to index
        %swap3A_596 = arith.constant 64 : index
        %swap3A_597 = tpu.vector_load %arg8[%swap3A_595, %swap3A_596] {strides = array<i32>} : memref<8x80xi32, #tpu.memory_space<vmem>>, vector<1x16xi32>,
        %swap3A_598 = vector.shape_cast %swap3A_597 : vector<1x16xi32> to vector<16xi32>
        %swap3A_599 = vector.shape_cast %shift_right_logical3A_594 : vector<16xi32> to vector<1x16xi32>
        tpu.vector_store %arg8[%swap3A_595, %swap3A_596], %swap3A_599 {strides = array<i32>} : memref<8x80xi32, #tpu.memory_space<vmem>>, vector<1x16xi32>,
      } else {
      }
      %lt3A_463 = arith.constant 122 : i32
      %lt3A_464 = arith.cmpi slt, %add3A_451, %lt3A_463 : i32
      %convert_element_type3A_465 = arith.extui %lt3A_464 : i1 to i32
      %cond3A_466 = arith.constant 0 : i32
      %cond3A_467 = arith.cmpi ne, %convert_element_type3A_465, %cond3A_466 : i32
      scf.if %cond3A_467 {
        %add3A_514 = arith.constant 3 : i32
        %add3A_515 = arith.addi %add3A_451, %add3A_514 : i32
        %and3A_516 = arith.constant 7 : i32
        %and3A_517 = arith.andi %add3A_515, %and3A_516 : i32
        %dma_start3A_518 = arith.constant 0 : i32
        %dma_start3A_519 = tpu.memref_slice %arg7[%and3A_517, %dma_start3A_518] : memref<8x80xi32, #tpu.memory_space<vmem>> -> memref<1x80xi32, #tpu.memory_space<vmem>>
        %dma_start3A_520 = tpu.memref_squeeze %dma_start3A_519 : memref<1x80xi32, #tpu.memory_space<vmem>> -> memref<80xi32, #tpu.memory_space<vmem>>
        %dma_start3A_521 = arith.constant 0 : i32
        %dma_start3A_522 = arith.constant 0 : i32
        %dma_start3A_523 = tpu.memref_slice %arg2[%dma_start3A_521, %dma_start3A_522] : memref<10000x128xf32, #tpu.memory_space<hbm>> -> memref<10000x128xf32, #tpu.memory_space<hbm>>
        tpu.enqueue_indirect_dma source(%dma_start3A_523 : memref<10000x128xf32, #tpu.memory_space<hbm>>) target(%arg9 : memref<80x128xf32, #tpu.memory_space<vmem>>) offsets(%dma_start3A_520 : memref<80xi32, #tpu.memory_space<vmem>>) semaphore(%arg12 : memref<!tpu.dma_semaphore, #tpu.memory_space<semaphore_mem>>)
      } else {
      }
      %mul3A_468 = arith.constant 3 : i32
      %mul3A_469 = arith.muli %scan3A_447, %mul3A_468 : i32
      %add3A_470 = arith.constant 1 : i32
      %add3A_471 = arith.addi %mul3A_469, %add3A_470 : i32
      %dma_wait3A_472 = arith.constant 0 : i32
      %dma_wait3A_473 = arith.constant 0 : i32
      %dma_wait3A_474 = tpu.memref_slice %arg7[%dma_wait3A_472, %dma_wait3A_473] : memref<8x80xi32, #tpu.memory_space<vmem>> -> memref<1x80xi32, #tpu.memory_space<vmem>>
      %dma_wait3A_475 = tpu.memref_squeeze %dma_wait3A_474 : memref<1x80xi32, #tpu.memory_space<vmem>> -> memref<80xi32, #tpu.memory_space<vmem>>
      %dma_wait3A_476 = arith.constant 0 : i32
      %dma_wait3A_477 = arith.constant 0 : i32
      %dma_wait3A_478 = tpu.memref_slice %arg2[%dma_wait3A_476, %dma_wait3A_477] : memref<10000x128xf32, #tpu.memory_space<hbm>> -> memref<10000x128xf32, #tpu.memory_space<hbm>>
      tpu.wait_indirect_dma semaphore(%arg13 : memref<!tpu.dma_semaphore, #tpu.memory_space<semaphore_mem>>) src(%dma_wait3A_478 : memref<10000x128xf32, #tpu.memory_space<hbm>>) dst(%arg10 : memref<80x128xf32, #tpu.memory_space<vmem>>)
      %and3A_479 = arith.constant 7 : i32
      %and3A_480 = arith.andi %add3A_471, %and3A_479 : i32
      "tpu.region"() ({
        %run_scoped3A_514 = tpu.sem_alloc : memref<!tpu.dma_semaphore, #tpu.memory_space<semaphore_mem>>
        %dma_start3A_515 = arith.constant 0 : i32
        %dma_start3A_516 = tpu.memref_slice %arg8[%and3A_480, %dma_start3A_515] : memref<8x80xi32, #tpu.memory_space<vmem>> -> memref<1x80xi32, #tpu.memory_space<vmem>>
        %dma_start3A_517 = tpu.memref_squeeze %dma_start3A_516 : memref<1x80xi32, #tpu.memory_space<vmem>> -> memref<80xi32, #tpu.memory_space<vmem>>
        %dma_start3A_518 = arith.constant 0 : i32
        %dma_start3A_519 = arith.constant 0 : i32
        %dma_start3A_520 = tpu.memref_slice %arg5[%dma_start3A_518, %dma_start3A_519] : memref<10112x128xf32, #tpu.memory_space<vmem_shared>> -> memref<10112x128xf32, #tpu.memory_space<vmem_shared>>
        tpu.enqueue_indirect_dma source(%arg10 : memref<80x128xf32, #tpu.memory_space<vmem>>) target(%dma_start3A_520 : memref<10112x128xf32, #tpu.memory_space<vmem_shared>>) offsets(%dma_start3A_517 : memref<80xi32, #tpu.memory_space<vmem>>) semaphore(%run_scoped3A_514 : memref<!tpu.dma_semaphore, #tpu.memory_space<semaphore_mem>>) {add = true}
        %dma_wait3A_521 = arith.constant 0 : i32
        %dma_wait3A_522 = tpu.memref_slice %arg8[%and3A_480, %dma_wait3A_521] : memref<8x80xi32, #tpu.memory_space<vmem>> -> memref<1x80xi32, #tpu.memory_space<vmem>>
        %dma_wait3A_523 = tpu.memref_squeeze %dma_wait3A_522 : memref<1x80xi32, #tpu.memory_space<vmem>> -> memref<80xi32, #tpu.memory_space<vmem>>
        %dma_wait3A_524 = arith.constant 0 : i32
        %dma_wait3A_525 = arith.constant 0 : i32
        %dma_wait3A_526 = tpu.memref_slice %arg5[%dma_wait3A_524, %dma_wait3A_525] : memref<10112x128xf32, #tpu.memory_space<vmem_shared>> -> memref<10112x128xf32, #tpu.memory_space<vmem_shared>>
        tpu.wait_indirect_dma semaphore(%run_scoped3A_514 : memref<!tpu.dma_semaphore, #tpu.memory_space<semaphore_mem>>) src(%arg10 : memref<80x128xf32, #tpu.memory_space<vmem>>) dst(%dma_wait3A_526 : memref<10112x128xf32, #tpu.memory_space<vmem_shared>>)
        tpu.yield
      }) : () -> ()
      %lt3A_481 = arith.constant 121 : i32
      %lt3A_482 = arith.cmpi slt, %add3A_471, %lt3A_481 : i32
      %convert_element_type3A_483 = arith.extui %lt3A_482 : i1 to i32
      %cond3A_484 = arith.constant 0 : i32
      %cond3A_485 = arith.cmpi ne, %convert_element_type3A_483, %cond3A_484 : i32
      scf.if %cond3A_485 {
        %add3A_514 = arith.constant 4 : i32
        %add3A_515 = arith.addi %add3A_471, %add3A_514 : i32
        %add3A_516 = arith.constant 4 : i32
        %add3A_517 = arith.addi %add3A_471, %add3A_516 : i32
        %and3A_518 = arith.constant 7 : i32
        %and3A_519 = arith.andi %add3A_517, %and3A_518 : i32
        %get3A_520 = arith.index_cast %add3A_515 : i32 to index
        %get3A_521 = arith.constant 0 : index
        %get3A_522 = tpu.vector_load %arg6[%get3A_520, %get3A_521] {strides = array<i32>} : memref<125x80xi32, #tpu.memory_space<vmem>>, vector<1x16xi32>,
        %get3A_523 = vector.shape_cast %get3A_522 : vector<1x16xi32> to vector<16xi32>
        %and3A_524 = arith.andi %get3A_523, %broadcast_in_dim3A_1 : vector<16xi32>
        %swap3A_525 = arith.index_cast %and3A_519 : i32 to index
        %swap3A_526 = arith.constant 0 : index
        %swap3A_527 = tpu.vector_load %arg7[%swap3A_525, %swap3A_526] {strides = array<i32>} : memref<8x80xi32, #tpu.memory_space<vmem>>, vector<1x16xi32>,
        %swap3A_528 = vector.shape_cast %swap3A_527 : vector<1x16xi32> to vector<16xi32>
        %swap3A_529 = vector.shape_cast %and3A_524 : vector<16xi32> to vector<1x16xi32>
        tpu.vector_store %arg7[%swap3A_525, %swap3A_526], %swap3A_529 {strides = array<i32>} : memref<8x80xi32, #tpu.memory_space<vmem>>, vector<1x16xi32>,
        %shift_right_logical3A_530 = arith.shrui %get3A_523, %broadcast_in_dim3A_3 : vector<16xi32>
        %swap3A_531 = arith.index_cast %and3A_519 : i32 to index
        %swap3A_532 = arith.constant 0 : index
        %swap3A_533 = tpu.vector_load %arg8[%swap3A_531, %swap3A_532] {strides = array<i32>} : memref<8x80xi32, #tpu.memory_space<vmem>>, vector<1x16xi32>,
        %swap3A_534 = vector.shape_cast %swap3A_533 : vector<1x16xi32> to vector<16xi32>
        %swap3A_535 = vector.shape_cast %shift_right_logical3A_530 : vector<16xi32> to vector<1x16xi32>
        tpu.vector_store %arg8[%swap3A_531, %swap3A_532], %swap3A_535 {strides = array<i32>} : memref<8x80xi32, #tpu.memory_space<vmem>>, vector<1x16xi32>,
        %get3A_536 = arith.index_cast %add3A_515 : i32 to index
        %get3A_537 = arith.constant 16 : index
        %get3A_538 = tpu.vector_load %arg6[%get3A_536, %get3A_537] {strides = array<i32>} : memref<125x80xi32, #tpu.memory_space<vmem>>, vector<1x16xi32>,
        %get3A_539 = vector.shape_cast %get3A_538 : vector<1x16xi32> to vector<16xi32>
        %and3A_540 = arith.andi %get3A_539, %broadcast_in_dim3A_1 : vector<16xi32>
        %swap3A_541 = arith.index_cast %and3A_519 : i32 to index
        %swap3A_542 = arith.constant 16 : index
        %swap3A_543 = tpu.vector_load %arg7[%swap3A_541, %swap3A_542] {strides = array<i32>} : memref<8x80xi32, #tpu.memory_space<vmem>>, vector<1x16xi32>,
        %swap3A_544 = vector.shape_cast %swap3A_543 : vector<1x16xi32> to vector<16xi32>
        %swap3A_545 = vector.shape_cast %and3A_540 : vector<16xi32> to vector<1x16xi32>
        tpu.vector_store %arg7[%swap3A_541, %swap3A_542], %swap3A_545 {strides = array<i32>} : memref<8x80xi32, #tpu.memory_space<vmem>>, vector<1x16xi32>,
        %shift_right_logical3A_546 = arith.shrui %get3A_539, %broadcast_in_dim3A_3 : vector<16xi32>
        %swap3A_547 = arith.index_cast %and3A_519 : i32 to index
        %swap3A_548 = arith.constant 16 : index
        %swap3A_549 = tpu.vector_load %arg8[%swap3A_547, %swap3A_548] {strides = array<i32>} : memref<8x80xi32, #tpu.memory_space<vmem>>, vector<1x16xi32>,
        %swap3A_550 = vector.shape_cast %swap3A_549 : vector<1x16xi32> to vector<16xi32>
        %swap3A_551 = vector.shape_cast %shift_right_logical3A_546 : vector<16xi32> to vector<1x16xi32>
        tpu.vector_store %arg8[%swap3A_547, %swap3A_548], %swap3A_551 {strides = array<i32>} : memref<8x80xi32, #tpu.memory_space<vmem>>, vector<1x16xi32>,
        %get3A_552 = arith.index_cast %add3A_515 : i32 to index
        %get3A_553 = arith.constant 32 : index
        %get3A_554 = tpu.vector_load %arg6[%get3A_552, %get3A_553] {strides = array<i32>} : memref<125x80xi32, #tpu.memory_space<vmem>>, vector<1x16xi32>,
        %get3A_555 = vector.shape_cast %get3A_554 : vector<1x16xi32> to vector<16xi32>
        %and3A_556 = arith.andi %get3A_555, %broadcast_in_dim3A_1 : vector<16xi32>
        %swap3A_557 = arith.index_cast %and3A_519 : i32 to index
        %swap3A_558 = arith.constant 32 : index
        %swap3A_559 = tpu.vector_load %arg7[%swap3A_557, %swap3A_558] {strides = array<i32>} : memref<8x80xi32, #tpu.memory_space<vmem>>, vector<1x16xi32>,
        %swap3A_560 = vector.shape_cast %swap3A_559 : vector<1x16xi32> to vector<16xi32>
        %swap3A_561 = vector.shape_cast %and3A_556 : vector<16xi32> to vector<1x16xi32>
        tpu.vector_store %arg7[%swap3A_557, %swap3A_558], %swap3A_561 {strides = array<i32>} : memref<8x80xi32, #tpu.memory_space<vmem>>, vector<1x16xi32>,
        %shift_right_logical3A_562 = arith.shrui %get3A_555, %broadcast_in_dim3A_3 : vector<16xi32>
        %swap3A_563 = arith.index_cast %and3A_519 : i32 to index
        %swap3A_564 = arith.constant 32 : index
        %swap3A_565 = tpu.vector_load %arg8[%swap3A_563, %swap3A_564] {strides = array<i32>} : memref<8x80xi32, #tpu.memory_space<vmem>>, vector<1x16xi32>,
        %swap3A_566 = vector.shape_cast %swap3A_565 : vector<1x16xi32> to vector<16xi32>
        %swap3A_567 = vector.shape_cast %shift_right_logical3A_562 : vector<16xi32> to vector<1x16xi32>
        tpu.vector_store %arg8[%swap3A_563, %swap3A_564], %swap3A_567 {strides = array<i32>} : memref<8x80xi32, #tpu.memory_space<vmem>>, vector<1x16xi32>,
        %get3A_568 = arith.index_cast %add3A_515 : i32 to index
        %get3A_569 = arith.constant 48 : index
        %get3A_570 = tpu.vector_load %arg6[%get3A_568, %get3A_569] {strides = array<i32>} : memref<125x80xi32, #tpu.memory_space<vmem>>, vector<1x16xi32>,
        %get3A_571 = vector.shape_cast %get3A_570 : vector<1x16xi32> to vector<16xi32>
        %and3A_572 = arith.andi %get3A_571, %broadcast_in_dim3A_1 : vector<16xi32>
        %swap3A_573 = arith.index_cast %and3A_519 : i32 to index
        %swap3A_574 = arith.constant 48 : index
        %swap3A_575 = tpu.vector_load %arg7[%swap3A_573, %swap3A_574] {strides = array<i32>} : memref<8x80xi32, #tpu.memory_space<vmem>>, vector<1x16xi32>,
        %swap3A_576 = vector.shape_cast %swap3A_575 : vector<1x16xi32> to vector<16xi32>
        %swap3A_577 = vector.shape_cast %and3A_572 : vector<16xi32> to vector<1x16xi32>
        tpu.vector_store %arg7[%swap3A_573, %swap3A_574], %swap3A_577 {strides = array<i32>} : memref<8x80xi32, #tpu.memory_space<vmem>>, vector<1x16xi32>,
        %shift_right_logical3A_578 = arith.shrui %get3A_571, %broadcast_in_dim3A_3 : vector<16xi32>
        %swap3A_579 = arith.index_cast %and3A_519 : i32 to index
        %swap3A_580 = arith.constant 48 : index
        %swap3A_581 = tpu.vector_load %arg8[%swap3A_579, %swap3A_580] {strides = array<i32>} : memref<8x80xi32, #tpu.memory_space<vmem>>, vector<1x16xi32>,
        %swap3A_582 = vector.shape_cast %swap3A_581 : vector<1x16xi32> to vector<16xi32>
        %swap3A_583 = vector.shape_cast %shift_right_logical3A_578 : vector<16xi32> to vector<1x16xi32>
        tpu.vector_store %arg8[%swap3A_579, %swap3A_580], %swap3A_583 {strides = array<i32>} : memref<8x80xi32, #tpu.memory_space<vmem>>, vector<1x16xi32>,
        %get3A_584 = arith.index_cast %add3A_515 : i32 to index
        %get3A_585 = arith.constant 64 : index
        %get3A_586 = tpu.vector_load %arg6[%get3A_584, %get3A_585] {strides = array<i32>} : memref<125x80xi32, #tpu.memory_space<vmem>>, vector<1x16xi32>,
        %get3A_587 = vector.shape_cast %get3A_586 : vector<1x16xi32> to vector<16xi32>
        %and3A_588 = arith.andi %get3A_587, %broadcast_in_dim3A_1 : vector<16xi32>
        %swap3A_589 = arith.index_cast %and3A_519 : i32 to index
        %swap3A_590 = arith.constant 64 : index
        %swap3A_591 = tpu.vector_load %arg7[%swap3A_589, %swap3A_590] {strides = array<i32>} : memref<8x80xi32, #tpu.memory_space<vmem>>, vector<1x16xi32>,
        %swap3A_592 = vector.shape_cast %swap3A_591 : vector<1x16xi32> to vector<16xi32>
        %swap3A_593 = vector.shape_cast %and3A_588 : vector<16xi32> to vector<1x16xi32>
        tpu.vector_store %arg7[%swap3A_589, %swap3A_590], %swap3A_593 {strides = array<i32>} : memref<8x80xi32, #tpu.memory_space<vmem>>, vector<1x16xi32>,
        %shift_right_logical3A_594 = arith.shrui %get3A_587, %broadcast_in_dim3A_3 : vector<16xi32>
        %swap3A_595 = arith.index_cast %and3A_519 : i32 to index
        %swap3A_596 = arith.constant 64 : index
        %swap3A_597 = tpu.vector_load %arg8[%swap3A_595, %swap3A_596] {strides = array<i32>} : memref<8x80xi32, #tpu.memory_space<vmem>>, vector<1x16xi32>,
        %swap3A_598 = vector.shape_cast %swap3A_597 : vector<1x16xi32> to vector<16xi32>
        %swap3A_599 = vector.shape_cast %shift_right_logical3A_594 : vector<16xi32> to vector<1x16xi32>
        tpu.vector_store %arg8[%swap3A_595, %swap3A_596], %swap3A_599 {strides = array<i32>} : memref<8x80xi32, #tpu.memory_space<vmem>>, vector<1x16xi32>,
      } else {
      }
      %lt3A_486 = arith.constant 122 : i32
      %lt3A_487 = arith.cmpi slt, %add3A_471, %lt3A_486 : i32
      %convert_element_type3A_488 = arith.extui %lt3A_487 : i1 to i32
      %cond3A_489 = arith.constant 0 : i32
      %cond3A_490 = arith.cmpi ne, %convert_element_type3A_488, %cond3A_489 : i32
      scf.if %cond3A_490 {
        %add3A_514 = arith.constant 3 : i32
        %add3A_515 = arith.addi %add3A_471, %add3A_514 : i32
        %and3A_516 = arith.constant 7 : i32
        %and3A_517 = arith.andi %add3A_515, %and3A_516 : i32
        %dma_start3A_518 = arith.constant 0 : i32
        %dma_start3A_519 = tpu.memref_slice %arg7[%and3A_517, %dma_start3A_518] : memref<8x80xi32, #tpu.memory_space<vmem>> -> memref<1x80xi32, #tpu.memory_space<vmem>>
        %dma_start3A_520 = tpu.memref_squeeze %dma_start3A_519 : memref<1x80xi32, #tpu.memory_space<vmem>> -> memref<80xi32, #tpu.memory_space<vmem>>
        %dma_start3A_521 = arith.constant 0 : i32
        %dma_start3A_522 = arith.constant 0 : i32
        %dma_start3A_523 = tpu.memref_slice %arg2[%dma_start3A_521, %dma_start3A_522] : memref<10000x128xf32, #tpu.memory_space<hbm>> -> memref<10000x128xf32, #tpu.memory_space<hbm>>
        tpu.enqueue_indirect_dma source(%dma_start3A_523 : memref<10000x128xf32, #tpu.memory_space<hbm>>) target(%arg10 : memref<80x128xf32, #tpu.memory_space<vmem>>) offsets(%dma_start3A_520 : memref<80xi32, #tpu.memory_space<vmem>>) semaphore(%arg13 : memref<!tpu.dma_semaphore, #tpu.memory_space<semaphore_mem>>)
      } else {
      }
      %mul3A_491 = arith.constant 3 : i32
      %mul3A_492 = arith.muli %scan3A_447, %mul3A_491 : i32
      %add3A_493 = arith.constant 2 : i32
      %add3A_494 = arith.addi %mul3A_492, %add3A_493 : i32
      %dma_wait3A_495 = arith.constant 0 : i32
      %dma_wait3A_496 = arith.constant 0 : i32
      %dma_wait3A_497 = tpu.memref_slice %arg7[%dma_wait3A_495, %dma_wait3A_496] : memref<8x80xi32, #tpu.memory_space<vmem>> -> memref<1x80xi32, #tpu.memory_space<vmem>>
      %dma_wait3A_498 = tpu.memref_squeeze %dma_wait3A_497 : memref<1x80xi32, #tpu.memory_space<vmem>> -> memref<80xi32, #tpu.memory_space<vmem>>
      %dma_wait3A_499 = arith.constant 0 : i32
      %dma_wait3A_500 = arith.constant 0 : i32
      %dma_wait3A_501 = tpu.memref_slice %arg2[%dma_wait3A_499, %dma_wait3A_500] : memref<10000x128xf32, #tpu.memory_space<hbm>> -> memref<10000x128xf32, #tpu.memory_space<hbm>>
      tpu.wait_indirect_dma semaphore(%arg14 : memref<!tpu.dma_semaphore, #tpu.memory_space<semaphore_mem>>) src(%dma_wait3A_501 : memref<10000x128xf32, #tpu.memory_space<hbm>>) dst(%arg11 : memref<80x128xf32, #tpu.memory_space<vmem>>)
      %and3A_502 = arith.constant 7 : i32
      %and3A_503 = arith.andi %add3A_494, %and3A_502 : i32
      "tpu.region"() ({
        %run_scoped3A_514 = tpu.sem_alloc : memref<!tpu.dma_semaphore, #tpu.memory_space<semaphore_mem>>
        %dma_start3A_515 = arith.constant 0 : i32
        %dma_start3A_516 = tpu.memref_slice %arg8[%and3A_503, %dma_start3A_515] : memref<8x80xi32, #tpu.memory_space<vmem>> -> memref<1x80xi32, #tpu.memory_space<vmem>>
        %dma_start3A_517 = tpu.memref_squeeze %dma_start3A_516 : memref<1x80xi32, #tpu.memory_space<vmem>> -> memref<80xi32, #tpu.memory_space<vmem>>
        %dma_start3A_518 = arith.constant 0 : i32
        %dma_start3A_519 = arith.constant 0 : i32
        %dma_start3A_520 = tpu.memref_slice %arg5[%dma_start3A_518, %dma_start3A_519] : memref<10112x128xf32, #tpu.memory_space<vmem_shared>> -> memref<10112x128xf32, #tpu.memory_space<vmem_shared>>
        tpu.enqueue_indirect_dma source(%arg11 : memref<80x128xf32, #tpu.memory_space<vmem>>) target(%dma_start3A_520 : memref<10112x128xf32, #tpu.memory_space<vmem_shared>>) offsets(%dma_start3A_517 : memref<80xi32, #tpu.memory_space<vmem>>) semaphore(%run_scoped3A_514 : memref<!tpu.dma_semaphore, #tpu.memory_space<semaphore_mem>>) {add = true}
        %dma_wait3A_521 = arith.constant 0 : i32
        %dma_wait3A_522 = tpu.memref_slice %arg8[%and3A_503, %dma_wait3A_521] : memref<8x80xi32, #tpu.memory_space<vmem>> -> memref<1x80xi32, #tpu.memory_space<vmem>>
        %dma_wait3A_523 = tpu.memref_squeeze %dma_wait3A_522 : memref<1x80xi32, #tpu.memory_space<vmem>> -> memref<80xi32, #tpu.memory_space<vmem>>
        %dma_wait3A_524 = arith.constant 0 : i32
        %dma_wait3A_525 = arith.constant 0 : i32
        %dma_wait3A_526 = tpu.memref_slice %arg5[%dma_wait3A_524, %dma_wait3A_525] : memref<10112x128xf32, #tpu.memory_space<vmem_shared>> -> memref<10112x128xf32, #tpu.memory_space<vmem_shared>>
        tpu.wait_indirect_dma semaphore(%run_scoped3A_514 : memref<!tpu.dma_semaphore, #tpu.memory_space<semaphore_mem>>) src(%arg11 : memref<80x128xf32, #tpu.memory_space<vmem>>) dst(%dma_wait3A_526 : memref<10112x128xf32, #tpu.memory_space<vmem_shared>>)
        tpu.yield
      }) : () -> ()
      %lt3A_504 = arith.constant 121 : i32
      %lt3A_505 = arith.cmpi slt, %add3A_494, %lt3A_504 : i32
      %convert_element_type3A_506 = arith.extui %lt3A_505 : i1 to i32
      %cond3A_507 = arith.constant 0 : i32
      %cond3A_508 = arith.cmpi ne, %convert_element_type3A_506, %cond3A_507 : i32
      scf.if %cond3A_508 {
        %add3A_514 = arith.constant 4 : i32
        %add3A_515 = arith.addi %add3A_494, %add3A_514 : i32
        %add3A_516 = arith.constant 4 : i32
        %add3A_517 = arith.addi %add3A_494, %add3A_516 : i32
        %and3A_518 = arith.constant 7 : i32
        %and3A_519 = arith.andi %add3A_517, %and3A_518 : i32
        %get3A_520 = arith.index_cast %add3A_515 : i32 to index
        %get3A_521 = arith.constant 0 : index
        %get3A_522 = tpu.vector_load %arg6[%get3A_520, %get3A_521] {strides = array<i32>} : memref<125x80xi32, #tpu.memory_space<vmem>>, vector<1x16xi32>,
        %get3A_523 = vector.shape_cast %get3A_522 : vector<1x16xi32> to vector<16xi32>
        %and3A_524 = arith.andi %get3A_523, %broadcast_in_dim3A_1 : vector<16xi32>
        %swap3A_525 = arith.index_cast %and3A_519 : i32 to index
        %swap3A_526 = arith.constant 0 : index
        %swap3A_527 = tpu.vector_load %arg7[%swap3A_525, %swap3A_526] {strides = array<i32>} : memref<8x80xi32, #tpu.memory_space<vmem>>, vector<1x16xi32>,
        %swap3A_528 = vector.shape_cast %swap3A_527 : vector<1x16xi32> to vector<16xi32>
        %swap3A_529 = vector.shape_cast %and3A_524 : vector<16xi32> to vector<1x16xi32>
        tpu.vector_store %arg7[%swap3A_525, %swap3A_526], %swap3A_529 {strides = array<i32>} : memref<8x80xi32, #tpu.memory_space<vmem>>, vector<1x16xi32>,
        %shift_right_logical3A_530 = arith.shrui %get3A_523, %broadcast_in_dim3A_3 : vector<16xi32>
        %swap3A_531 = arith.index_cast %and3A_519 : i32 to index
        %swap3A_532 = arith.constant 0 : index
        %swap3A_533 = tpu.vector_load %arg8[%swap3A_531, %swap3A_532] {strides = array<i32>} : memref<8x80xi32, #tpu.memory_space<vmem>>, vector<1x16xi32>,
        %swap3A_534 = vector.shape_cast %swap3A_533 : vector<1x16xi32> to vector<16xi32>
        %swap3A_535 = vector.shape_cast %shift_right_logical3A_530 : vector<16xi32> to vector<1x16xi32>
        tpu.vector_store %arg8[%swap3A_531, %swap3A_532], %swap3A_535 {strides = array<i32>} : memref<8x80xi32, #tpu.memory_space<vmem>>, vector<1x16xi32>,
        %get3A_536 = arith.index_cast %add3A_515 : i32 to index
        %get3A_537 = arith.constant 16 : index
        %get3A_538 = tpu.vector_load %arg6[%get3A_536, %get3A_537] {strides = array<i32>} : memref<125x80xi32, #tpu.memory_space<vmem>>, vector<1x16xi32>,
        %get3A_539 = vector.shape_cast %get3A_538 : vector<1x16xi32> to vector<16xi32>
        %and3A_540 = arith.andi %get3A_539, %broadcast_in_dim3A_1 : vector<16xi32>
        %swap3A_541 = arith.index_cast %and3A_519 : i32 to index
        %swap3A_542 = arith.constant 16 : index
        %swap3A_543 = tpu.vector_load %arg7[%swap3A_541, %swap3A_542] {strides = array<i32>} : memref<8x80xi32, #tpu.memory_space<vmem>>, vector<1x16xi32>,
        %swap3A_544 = vector.shape_cast %swap3A_543 : vector<1x16xi32> to vector<16xi32>
        %swap3A_545 = vector.shape_cast %and3A_540 : vector<16xi32> to vector<1x16xi32>
        tpu.vector_store %arg7[%swap3A_541, %swap3A_542], %swap3A_545 {strides = array<i32>} : memref<8x80xi32, #tpu.memory_space<vmem>>, vector<1x16xi32>,
        %shift_right_logical3A_546 = arith.shrui %get3A_539, %broadcast_in_dim3A_3 : vector<16xi32>
        %swap3A_547 = arith.index_cast %and3A_519 : i32 to index
        %swap3A_548 = arith.constant 16 : index
        %swap3A_549 = tpu.vector_load %arg8[%swap3A_547, %swap3A_548] {strides = array<i32>} : memref<8x80xi32, #tpu.memory_space<vmem>>, vector<1x16xi32>,
        %swap3A_550 = vector.shape_cast %swap3A_549 : vector<1x16xi32> to vector<16xi32>
        %swap3A_551 = vector.shape_cast %shift_right_logical3A_546 : vector<16xi32> to vector<1x16xi32>
        tpu.vector_store %arg8[%swap3A_547, %swap3A_548], %swap3A_551 {strides = array<i32>} : memref<8x80xi32, #tpu.memory_space<vmem>>, vector<1x16xi32>,
        %get3A_552 = arith.index_cast %add3A_515 : i32 to index
        %get3A_553 = arith.constant 32 : index
        %get3A_554 = tpu.vector_load %arg6[%get3A_552, %get3A_553] {strides = array<i32>} : memref<125x80xi32, #tpu.memory_space<vmem>>, vector<1x16xi32>,
        %get3A_555 = vector.shape_cast %get3A_554 : vector<1x16xi32> to vector<16xi32>
        %and3A_556 = arith.andi %get3A_555, %broadcast_in_dim3A_1 : vector<16xi32>
        %swap3A_557 = arith.index_cast %and3A_519 : i32 to index
        %swap3A_558 = arith.constant 32 : index
        %swap3A_559 = tpu.vector_load %arg7[%swap3A_557, %swap3A_558] {strides = array<i32>} : memref<8x80xi32, #tpu.memory_space<vmem>>, vector<1x16xi32>,
        %swap3A_560 = vector.shape_cast %swap3A_559 : vector<1x16xi32> to vector<16xi32>
        %swap3A_561 = vector.shape_cast %and3A_556 : vector<16xi32> to vector<1x16xi32>
        tpu.vector_store %arg7[%swap3A_557, %swap3A_558], %swap3A_561 {strides = array<i32>} : memref<8x80xi32, #tpu.memory_space<vmem>>, vector<1x16xi32>,
        %shift_right_logical3A_562 = arith.shrui %get3A_555, %broadcast_in_dim3A_3 : vector<16xi32>
        %swap3A_563 = arith.index_cast %and3A_519 : i32 to index
        %swap3A_564 = arith.constant 32 : index
        %swap3A_565 = tpu.vector_load %arg8[%swap3A_563, %swap3A_564] {strides = array<i32>} : memref<8x80xi32, #tpu.memory_space<vmem>>, vector<1x16xi32>,
        %swap3A_566 = vector.shape_cast %swap3A_565 : vector<1x16xi32> to vector<16xi32>
        %swap3A_567 = vector.shape_cast %shift_right_logical3A_562 : vector<16xi32> to vector<1x16xi32>
        tpu.vector_store %arg8[%swap3A_563, %swap3A_564], %swap3A_567 {strides = array<i32>} : memref<8x80xi32, #tpu.memory_space<vmem>>, vector<1x16xi32>,
        %get3A_568 = arith.index_cast %add3A_515 : i32 to index
        %get3A_569 = arith.constant 48 : index
        %get3A_570 = tpu.vector_load %arg6[%get3A_568, %get3A_569] {strides = array<i32>} : memref<125x80xi32, #tpu.memory_space<vmem>>, vector<1x16xi32>,
        %get3A_571 = vector.shape_cast %get3A_570 : vector<1x16xi32> to vector<16xi32>
        %and3A_572 = arith.andi %get3A_571, %broadcast_in_dim3A_1 : vector<16xi32>
        %swap3A_573 = arith.index_cast %and3A_519 : i32 to index
        %swap3A_574 = arith.constant 48 : index
        %swap3A_575 = tpu.vector_load %arg7[%swap3A_573, %swap3A_574] {strides = array<i32>} : memref<8x80xi32, #tpu.memory_space<vmem>>, vector<1x16xi32>,
        %swap3A_576 = vector.shape_cast %swap3A_575 : vector<1x16xi32> to vector<16xi32>
        %swap3A_577 = vector.shape_cast %and3A_572 : vector<16xi32> to vector<1x16xi32>
        tpu.vector_store %arg7[%swap3A_573, %swap3A_574], %swap3A_577 {strides = array<i32>} : memref<8x80xi32, #tpu.memory_space<vmem>>, vector<1x16xi32>,
        %shift_right_logical3A_578 = arith.shrui %get3A_571, %broadcast_in_dim3A_3 : vector<16xi32>
        %swap3A_579 = arith.index_cast %and3A_519 : i32 to index
        %swap3A_580 = arith.constant 48 : index
        %swap3A_581 = tpu.vector_load %arg8[%swap3A_579, %swap3A_580] {strides = array<i32>} : memref<8x80xi32, #tpu.memory_space<vmem>>, vector<1x16xi32>,
        %swap3A_582 = vector.shape_cast %swap3A_581 : vector<1x16xi32> to vector<16xi32>
        %swap3A_583 = vector.shape_cast %shift_right_logical3A_578 : vector<16xi32> to vector<1x16xi32>
        tpu.vector_store %arg8[%swap3A_579, %swap3A_580], %swap3A_583 {strides = array<i32>} : memref<8x80xi32, #tpu.memory_space<vmem>>, vector<1x16xi32>,
        %get3A_584 = arith.index_cast %add3A_515 : i32 to index
        %get3A_585 = arith.constant 64 : index
        %get3A_586 = tpu.vector_load %arg6[%get3A_584, %get3A_585] {strides = array<i32>} : memref<125x80xi32, #tpu.memory_space<vmem>>, vector<1x16xi32>,
        %get3A_587 = vector.shape_cast %get3A_586 : vector<1x16xi32> to vector<16xi32>
        %and3A_588 = arith.andi %get3A_587, %broadcast_in_dim3A_1 : vector<16xi32>
        %swap3A_589 = arith.index_cast %and3A_519 : i32 to index
        %swap3A_590 = arith.constant 64 : index
        %swap3A_591 = tpu.vector_load %arg7[%swap3A_589, %swap3A_590] {strides = array<i32>} : memref<8x80xi32, #tpu.memory_space<vmem>>, vector<1x16xi32>,
        %swap3A_592 = vector.shape_cast %swap3A_591 : vector<1x16xi32> to vector<16xi32>
        %swap3A_593 = vector.shape_cast %and3A_588 : vector<16xi32> to vector<1x16xi32>
        tpu.vector_store %arg7[%swap3A_589, %swap3A_590], %swap3A_593 {strides = array<i32>} : memref<8x80xi32, #tpu.memory_space<vmem>>, vector<1x16xi32>,
        %shift_right_logical3A_594 = arith.shrui %get3A_587, %broadcast_in_dim3A_3 : vector<16xi32>
        %swap3A_595 = arith.index_cast %and3A_519 : i32 to index
        %swap3A_596 = arith.constant 64 : index
        %swap3A_597 = tpu.vector_load %arg8[%swap3A_595, %swap3A_596] {strides = array<i32>} : memref<8x80xi32, #tpu.memory_space<vmem>>, vector<1x16xi32>,
        %swap3A_598 = vector.shape_cast %swap3A_597 : vector<1x16xi32> to vector<16xi32>
        %swap3A_599 = vector.shape_cast %shift_right_logical3A_594 : vector<16xi32> to vector<1x16xi32>
        tpu.vector_store %arg8[%swap3A_595, %swap3A_596], %swap3A_599 {strides = array<i32>} : memref<8x80xi32, #tpu.memory_space<vmem>>, vector<1x16xi32>,
      } else {
      }
      %lt3A_509 = arith.constant 122 : i32
      %lt3A_510 = arith.cmpi slt, %add3A_494, %lt3A_509 : i32
      %convert_element_type3A_511 = arith.extui %lt3A_510 : i1 to i32
      %cond3A_512 = arith.constant 0 : i32
      %cond3A_513 = arith.cmpi ne, %convert_element_type3A_511, %cond3A_512 : i32
      scf.if %cond3A_513 {
        %add3A_514 = arith.constant 3 : i32
        %add3A_515 = arith.addi %add3A_494, %add3A_514 : i32
        %and3A_516 = arith.constant 7 : i32
        %and3A_517 = arith.andi %add3A_515, %and3A_516 : i32
        %dma_start3A_518 = arith.constant 0 : i32
        %dma_start3A_519 = tpu.memref_slice %arg7[%and3A_517, %dma_start3A_518] : memref<8x80xi32, #tpu.memory_space<vmem>> -> memref<1x80xi32, #tpu.memory_space<vmem>>
        %dma_start3A_520 = tpu.memref_squeeze %dma_start3A_519 : memref<1x80xi32, #tpu.memory_space<vmem>> -> memref<80xi32, #tpu.memory_space<vmem>>
        %dma_start3A_521 = arith.constant 0 : i32
        %dma_start3A_522 = arith.constant 0 : i32
        %dma_start3A_523 = tpu.memref_slice %arg2[%dma_start3A_521, %dma_start3A_522] : memref<10000x128xf32, #tpu.memory_space<hbm>> -> memref<10000x128xf32, #tpu.memory_space<hbm>>
        tpu.enqueue_indirect_dma source(%dma_start3A_523 : memref<10000x128xf32, #tpu.memory_space<hbm>>) target(%arg11 : memref<80x128xf32, #tpu.memory_space<vmem>>) offsets(%dma_start3A_520 : memref<80xi32, #tpu.memory_space<vmem>>) semaphore(%arg14 : memref<!tpu.dma_semaphore, #tpu.memory_space<semaphore_mem>>)
      } else {
      }
    }
    %scan3A_431 = arith.constant 41 : i32
    %dma_wait3A = arith.constant 0 : i32
    %dma_wait3A_432 = arith.constant 0 : i32
    %dma_wait3A_433 = tpu.memref_slice %arg7[%dma_wait3A, %dma_wait3A_432] : memref<8x80xi32, #tpu.memory_space<vmem>> -> memref<1x80xi32, #tpu.memory_space<vmem>>
    %dma_wait3A_434 = tpu.memref_squeeze %dma_wait3A_433 : memref<1x80xi32, #tpu.memory_space<vmem>> -> memref<80xi32, #tpu.memory_space<vmem>>
    %dma_wait3A_435 = arith.constant 0 : i32
    %dma_wait3A_436 = arith.constant 0 : i32
    %dma_wait3A_437 = tpu.memref_slice %arg2[%dma_wait3A_435, %dma_wait3A_436] : memref<10000x128xf32, #tpu.memory_space<hbm>> -> memref<10000x128xf32, #tpu.memory_space<hbm>>
    tpu.wait_indirect_dma semaphore(%arg12 : memref<!tpu.dma_semaphore, #tpu.memory_space<semaphore_mem>>) src(%dma_wait3A_437 : memref<10000x128xf32, #tpu.memory_space<hbm>>) dst(%arg9 : memref<80x128xf32, #tpu.memory_space<vmem>>)
    %run_scoped3A = arith.constant 3 : i32
    "tpu.region"() ({
      %run_scoped3A_447 = tpu.sem_alloc : memref<!tpu.dma_semaphore, #tpu.memory_space<semaphore_mem>>
      %dma_start3A_448 = arith.constant 0 : i32
      %dma_start3A_449 = tpu.memref_slice %arg8[%run_scoped3A, %dma_start3A_448] : memref<8x80xi32, #tpu.memory_space<vmem>> -> memref<1x80xi32, #tpu.memory_space<vmem>>
      %dma_start3A_450 = tpu.memref_squeeze %dma_start3A_449 : memref<1x80xi32, #tpu.memory_space<vmem>> -> memref<80xi32, #tpu.memory_space<vmem>>
      %dma_start3A_451 = arith.constant 0 : i32
      %dma_start3A_452 = arith.constant 0 : i32
      %dma_start3A_453 = tpu.memref_slice %arg5[%dma_start3A_451, %dma_start3A_452] : memref<10112x128xf32, #tpu.memory_space<vmem_shared>> -> memref<10112x128xf32, #tpu.memory_space<vmem_shared>>
      tpu.enqueue_indirect_dma source(%arg9 : memref<80x128xf32, #tpu.memory_space<vmem>>) target(%dma_start3A_453 : memref<10112x128xf32, #tpu.memory_space<vmem_shared>>) offsets(%dma_start3A_450 : memref<80xi32, #tpu.memory_space<vmem>>) semaphore(%run_scoped3A_447 : memref<!tpu.dma_semaphore, #tpu.memory_space<semaphore_mem>>) {add = true}
      %dma_wait3A_454 = arith.constant 0 : i32
      %dma_wait3A_455 = tpu.memref_slice %arg8[%run_scoped3A, %dma_wait3A_454] : memref<8x80xi32, #tpu.memory_space<vmem>> -> memref<1x80xi32, #tpu.memory_space<vmem>>
      %dma_wait3A_456 = tpu.memref_squeeze %dma_wait3A_455 : memref<1x80xi32, #tpu.memory_space<vmem>> -> memref<80xi32, #tpu.memory_space<vmem>>
      %dma_wait3A_457 = arith.constant 0 : i32
      %dma_wait3A_458 = arith.constant 0 : i32
      %dma_wait3A_459 = tpu.memref_slice %arg5[%dma_wait3A_457, %dma_wait3A_458] : memref<10112x128xf32, #tpu.memory_space<vmem_shared>> -> memref<10112x128xf32, #tpu.memory_space<vmem_shared>>
      tpu.wait_indirect_dma semaphore(%run_scoped3A_447 : memref<!tpu.dma_semaphore, #tpu.memory_space<semaphore_mem>>) src(%arg9 : memref<80x128xf32, #tpu.memory_space<vmem>>) dst(%dma_wait3A_459 : memref<10112x128xf32, #tpu.memory_space<vmem_shared>>)
      tpu.yield
    }) : () -> ()
    %dma_wait3A_438 = arith.constant 0 : i32
    %dma_wait3A_439 = arith.constant 0 : i32
    %dma_wait3A_440 = tpu.memref_slice %arg7[%dma_wait3A_438, %dma_wait3A_439] : memref<8x80xi32, #tpu.memory_space<vmem>> -> memref<1x80xi32, #tpu.memory_space<vmem>>
    %dma_wait3A_441 = tpu.memref_squeeze %dma_wait3A_440 : memref<1x80xi32, #tpu.memory_space<vmem>> -> memref<80xi32, #tpu.memory_space<vmem>>
    %dma_wait3A_442 = arith.constant 0 : i32
    %dma_wait3A_443 = arith.constant 0 : i32
    %dma_wait3A_444 = tpu.memref_slice %arg2[%dma_wait3A_442, %dma_wait3A_443] : memref<10000x128xf32, #tpu.memory_space<hbm>> -> memref<10000x128xf32, #tpu.memory_space<hbm>>
    tpu.wait_indirect_dma semaphore(%arg13 : memref<!tpu.dma_semaphore, #tpu.memory_space<semaphore_mem>>) src(%dma_wait3A_444 : memref<10000x128xf32, #tpu.memory_space<hbm>>) dst(%arg10 : memref<80x128xf32, #tpu.memory_space<vmem>>)
    %run_scoped3A_445 = arith.constant 4 : i32
    "tpu.region"() ({
      %run_scoped3A_447 = tpu.sem_alloc : memref<!tpu.dma_semaphore, #tpu.memory_space<semaphore_mem>>
      %dma_start3A_448 = arith.constant 0 : i32
      %dma_start3A_449 = tpu.memref_slice %arg8[%run_scoped3A_445, %dma_start3A_448] : memref<8x80xi32, #tpu.memory_space<vmem>> -> memref<1x80xi32, #tpu.memory_space<vmem>>
      %dma_start3A_450 = tpu.memref_squeeze %dma_start3A_449 : memref<1x80xi32, #tpu.memory_space<vmem>> -> memref<80xi32, #tpu.memory_space<vmem>>
      %dma_start3A_451 = arith.constant 0 : i32
      %dma_start3A_452 = arith.constant 0 : i32
      %dma_start3A_453 = tpu.memref_slice %arg5[%dma_start3A_451, %dma_start3A_452] : memref<10112x128xf32, #tpu.memory_space<vmem_shared>> -> memref<10112x128xf32, #tpu.memory_space<vmem_shared>>
      tpu.enqueue_indirect_dma source(%arg10 : memref<80x128xf32, #tpu.memory_space<vmem>>) target(%dma_start3A_453 : memref<10112x128xf32, #tpu.memory_space<vmem_shared>>) offsets(%dma_start3A_450 : memref<80xi32, #tpu.memory_space<vmem>>) semaphore(%run_scoped3A_447 : memref<!tpu.dma_semaphore, #tpu.memory_space<semaphore_mem>>) {add = true}
      %dma_wait3A_454 = arith.constant 0 : i32
      %dma_wait3A_455 = tpu.memref_slice %arg8[%run_scoped3A_445, %dma_wait3A_454] : memref<8x80xi32, #tpu.memory_space<vmem>> -> memref<1x80xi32, #tpu.memory_space<vmem>>
      %dma_wait3A_456 = tpu.memref_squeeze %dma_wait3A_455 : memref<1x80xi32, #tpu.memory_space<vmem>> -> memref<80xi32, #tpu.memory_space<vmem>>
      %dma_wait3A_457 = arith.constant 0 : i32
      %dma_wait3A_458 = arith.constant 0 : i32
      %dma_wait3A_459 = tpu.memref_slice %arg5[%dma_wait3A_457, %dma_wait3A_458] : memref<10112x128xf32, #tpu.memory_space<vmem_shared>> -> memref<10112x128xf32, #tpu.memory_space<vmem_shared>>
      tpu.wait_indirect_dma semaphore(%run_scoped3A_447 : memref<!tpu.dma_semaphore, #tpu.memory_space<semaphore_mem>>) src(%arg10 : memref<80x128xf32, #tpu.memory_space<vmem>>) dst(%dma_wait3A_459 : memref<10112x128xf32, #tpu.memory_space<vmem_shared>>)
      tpu.yield
    }) : () -> ()
    %barrier3A_446 = arith.constant 0 : index
    tpu.barrier barrier_id(%barrier3A_446)
    "tpu.region"() ({
      %run_scoped3A_447 = tpu.sem_alloc : memref<!tpu.dma_semaphore, #tpu.memory_space<semaphore_mem>>
      %dma_start3A_448 = arith.constant 0 : i32
      %dma_start3A_449 = tpu.memref_slice %arg4[%arg0, %mul3A_401, %dma_start3A_448] : memref<2x10112x128xf32, #tpu.memory_space<hbm>> -> memref<1x632x128xf32, #tpu.memory_space<hbm>>
      %dma_start3A_450 = tpu.memref_squeeze %dma_start3A_449 : memref<1x632x128xf32, #tpu.memory_space<hbm>> -> memref<632x128xf32, #tpu.memory_space<hbm>>
      %dma_start3A_451 = arith.constant 0 : i32
      %dma_start3A_452 = tpu.memref_slice %arg5[%mul3A_401, %dma_start3A_451] : memref<10112x128xf32, #tpu.memory_space<vmem_shared>> -> memref<632x128xf32, #tpu.memory_space<vmem_shared>>
      tpu.enqueue_dma source(%dma_start3A_452 : memref<632x128xf32, #tpu.memory_space<vmem_shared>>) target(%dma_start3A_450 : memref<632x128xf32, #tpu.memory_space<hbm>>) target_semaphore(%run_scoped3A_447 : memref<!tpu.dma_semaphore, #tpu.memory_space<semaphore_mem>>)
      %dma_wait3A_453 = arith.constant 0 : i32
      %dma_wait3A_454 = tpu.memref_slice %arg4[%arg0, %mul3A_401, %dma_wait3A_453] : memref<2x10112x128xf32, #tpu.memory_space<hbm>> -> memref<1x632x128xf32, #tpu.memory_space<hbm>>
      %dma_wait3A_455 = tpu.memref_squeeze %dma_wait3A_454 : memref<1x632x128xf32, #tpu.memory_space<hbm>> -> memref<632x128xf32, #tpu.memory_space<hbm>>
      %dma_wait3A_456 = arith.constant 0 : i32
      %dma_wait3A_457 = tpu.memref_slice %arg5[%mul3A_401, %dma_wait3A_456] : memref<10112x128xf32, #tpu.memory_space<vmem_shared>> -> memref<632x128xf32, #tpu.memory_space<vmem_shared>>
      tpu.wait_dma2 semaphore(%run_scoped3A_447 : memref<!tpu.dma_semaphore, #tpu.memory_space<semaphore_mem>>) src(%dma_wait3A_457 : memref<632x128xf32, #tpu.memory_space<vmem_shared>>) dst(%dma_wait3A_455 : memref<632x128xf32, #tpu.memory_space<hbm>>)
      tpu.yield
    }) : () -> ()
    return
  }
}

module attributes {stable_mosaic.version = 14 : i64} {
  func.func @_scale_body(%arg0: i32, %arg1: memref<2000x128xf32, #tpu.memory_space<vmem>>, %arg2: memref<2000x1xf32, #tpu.memory_space<vmem>>, %arg3: memref<2000x128xf32, #tpu.memory_space<vmem>>) attributes {dimension_semantics = [#tpu.dimension_semantics<arbitrary>], iteration_bounds = array<i64: 5>, scalar_prefetch = 0 : i64, scratch_operands = 0 : i64, tpu.core_type = #tpu.core_type<tc>, window_params = [{transform_indices = @transform_0, window_bounds = array<i64: 2000, 128>}, {transform_indices = @transform_1, window_bounds = array<i64: 2000, 1>}, {transform_indices = @transform_2, window_bounds = array<i64: 2000, 128>}]} {
    %get3A = arith.constant 0 : index
    %get3A_0 = arith.constant 0 : index
    %get3A_1 = vector.load %arg1[%get3A, %get3A_0] : memref<2000x128xf32, #tpu.memory_space<vmem>>, vector<2000x128xf32>
    %get3A_2 = arith.constant 0 : index
    %get3A_3 = arith.constant 0 : index
    %get3A_4 = vector.load %arg2[%get3A_2, %get3A_3] : memref<2000x1xf32, #tpu.memory_space<vmem>>, vector<2000x1xf32>
    %mul3A = vector.broadcast %get3A_4 : vector<2000x1xf32> to vector<2000x128xf32>
    %mul3A_5 = arith.mulf %get3A_1, %mul3A : vector<2000x128xf32>
    %swap3A = arith.constant 0 : index
    %swap3A_6 = arith.constant 0 : index
    %swap3A_7 = vector.load %arg3[%swap3A, %swap3A_6] : memref<2000x128xf32, #tpu.memory_space<vmem>>, vector<2000x128xf32>
    tpu.vector_store %arg3[%swap3A, %swap3A_6], %mul3A_5 {strides = array<i32>} : memref<2000x128xf32, #tpu.memory_space<vmem>>, vector<2000x128xf32>,
    return
  }
  func.func @transform_0(%arg0: i32) -> (i32, i32) {
    %c0_i32 = arith.constant 0 : i32
    %c0_i32_0 = arith.constant 0 : i32
    return %arg0, %c0_i32 : i32, i32
  }
  func.func @transform_1(%arg0: i32) -> (i32, i32) {
    %c0_i32 = arith.constant 0 : i32
    %c0_i32_0 = arith.constant 0 : i32
    return %arg0, %c0_i32 : i32, i32
  }
  func.func @transform_2(%arg0: i32) -> (i32, i32) {
    %c0_i32 = arith.constant 0 : i32
    %c0_i32_0 = arith.constant 0 : i32
    return %arg0, %c0_i32 : i32, i32
  }
}

module attributes {stable_mosaic.version = 14 : i64} {
  func.func @_final_body(%arg0: i32, %arg1: memref<2x2000x128xf32, #tpu.memory_space<vmem>>, %arg2: memref<2000x1xf32, #tpu.memory_space<vmem>>, %arg3: memref<128x128xf32, #tpu.memory_space<vmem>>, %arg4: memref<1x128xf32, #tpu.memory_space<vmem>>, %arg5: memref<2000x128xf32, #tpu.memory_space<vmem>>) attributes {dimension_semantics = [#tpu.dimension_semantics<arbitrary>], iteration_bounds = array<i64: 5>, scalar_prefetch = 0 : i64, scratch_operands = 0 : i64, tpu.core_type = #tpu.core_type<tc>, window_params = [{transform_indices = @transform_0, window_bounds = array<i64: 2, 2000, 128>}, {transform_indices = @transform_1, window_bounds = array<i64: 2000, 1>}, {pipeline_mode = #tpu.pipeline_mode<synchronous>, transform_indices = @transform_2, window_bounds = array<i64: 128, 128>}, {pipeline_mode = #tpu.pipeline_mode<synchronous>, transform_indices = @transform_3, window_bounds = array<i64: 1, 128>}, {transform_indices = @transform_4, window_bounds = array<i64: 2000, 128>}]} {
    %get3A = arith.constant 0 : index
    %get3A_0 = arith.constant 0 : index
    %get3A_1 = arith.constant 0 : index
    %get3A_2 = vector.load %arg1[%get3A, %get3A_0, %get3A_1] : memref<2x2000x128xf32, #tpu.memory_space<vmem>>, vector<1x2000x128xf32>
    %get3A_3 = vector.shape_cast %get3A_2 : vector<1x2000x128xf32> to vector<2000x128xf32>
    %get3A_4 = arith.constant 1 : index
    %get3A_5 = arith.constant 0 : index
    %get3A_6 = arith.constant 0 : index
    %get3A_7 = vector.load %arg1[%get3A_4, %get3A_5, %get3A_6] : memref<2x2000x128xf32, #tpu.memory_space<vmem>>, vector<1x2000x128xf32>
    %get3A_8 = vector.shape_cast %get3A_7 : vector<1x2000x128xf32> to vector<2000x128xf32>
    %add3A = arith.addf %get3A_3, %get3A_8 : vector<2000x128xf32>
    %get3A_9 = arith.constant 0 : index
    %get3A_10 = arith.constant 0 : index
    %get3A_11 = vector.load %arg2[%get3A_9, %get3A_10] : memref<2000x1xf32, #tpu.memory_space<vmem>>, vector<2000x1xf32>
    %mul3A = vector.broadcast %get3A_11 : vector<2000x1xf32> to vector<2000x128xf32>
    %mul3A_12 = arith.mulf %add3A, %mul3A : vector<2000x128xf32>
    %get3A_13 = arith.constant 0 : index
    %get3A_14 = arith.constant 0 : index
    %get3A_15 = vector.load %arg3[%get3A_13, %get3A_14] : memref<128x128xf32, #tpu.memory_space<vmem>>, vector<128x128xf32>
    %dot_general3A = arith.constant dense<0.000000e+00> : vector<2000x128xf32>
    %dot_general3A_16 = tpu.matmul %mul3A_12, %get3A_15, %dot_general3A {dimension_numbers = #tpu.dot_dimension_numbers<[1], [0], [0], [1], [0, 0, 1, 1], [], []>, transpose_lhs_hint = false} : vector<2000x128xf32>, vector<128x128xf32>, vector<2000x128xf32> -> vector<2000x128xf32>
    %get3A_17 = arith.constant 0 : index
    %get3A_18 = arith.constant 0 : index
    %get3A_19 = vector.load %arg4[%get3A_17, %get3A_18] : memref<1x128xf32, #tpu.memory_space<vmem>>, vector<1x128xf32>
    %add3A_20 = vector.broadcast %get3A_19 : vector<1x128xf32> to vector<2000x128xf32>
    %add3A_21 = arith.addf %dot_general3A_16, %add3A_20 : vector<2000x128xf32>
    %swap3A = arith.constant 0 : index
    %swap3A_22 = arith.constant 0 : index
    %swap3A_23 = vector.load %arg5[%swap3A, %swap3A_22] : memref<2000x128xf32, #tpu.memory_space<vmem>>, vector<2000x128xf32>
    tpu.vector_store %arg5[%swap3A, %swap3A_22], %add3A_21 {strides = array<i32>} : memref<2000x128xf32, #tpu.memory_space<vmem>>, vector<2000x128xf32>,
    return
  }
  func.func @transform_0(%arg0: i32) -> (i32, i32, i32) {
    %c0_i32 = arith.constant 0 : i32
    %c0_i32_0 = arith.constant 0 : i32
    %c0_i32_1 = arith.constant 0 : i32
    return %c0_i32, %arg0, %c0_i32_0 : i32, i32, i32
  }
  func.func @transform_1(%arg0: i32) -> (i32, i32) {
    %c0_i32 = arith.constant 0 : i32
    %c0_i32_0 = arith.constant 0 : i32
    return %arg0, %c0_i32 : i32, i32
  }
  func.func @transform_2(%arg0: i32) -> (i32, i32) {
    %c0_i32 = arith.constant 0 : i32
    %c0_i32_0 = arith.constant 0 : i32
    %c0_i32_1 = arith.constant 0 : i32
    return %c0_i32, %c0_i32_0 : i32, i32
  }
  func.func @transform_3(%arg0: i32) -> (i32, i32) {
    %c0_i32 = arith.constant 0 : i32
    %c0_i32_0 = arith.constant 0 : i32
    %c0_i32_1 = arith.constant 0 : i32
    return %c0_i32, %c0_i32_0 : i32, i32
  }
  func.func @transform_4(%arg0: i32) -> (i32, i32) {
    %c0_i32 = arith.constant 0 : i32
    %c0_i32_0 = arith.constant 0 : i32
    return %arg0, %c0_i32 : i32, i32
  }
}

</mosaic_0001>

<sc_bundles>
// kernel: kernel.5.cloned.1.call-start
scs
__scs_entry_jumppad:
0x0: {  	(pc) =	sbr.rel $0x88, $3  }
0x1: {  	(tag) =	ssettag $0x0;
	lr =	simm.s32 $0x1  }
0x2: {  	[smem:$0x3F9C] =	sst lr;
	_ =	strace $0xD0000000  }
0x3: {  	_ = 	snop  }
0x4: {  	_ = 	snop  }
0x5: {  	_ = 	snop  }
0x6: {  	_ = 	snop  }
0x7: {  	_ = 	snop  }
__scs_overlays_trampoline_lowered:
0x8: {  	[smem:$0x3FAB] =	sst s0  }
0x9: {  	[smem:$0x3FAC] =	sst s1  }
0xa: {  	[smem:$0x3FAD] =	sst s2  }
0xb: {  	[smem:$0x3FAE] =	sst s3  }
0xc: {  	[smem:$0x3FAF] =	sst s4  }
0xd: {  	[smem:$0x3FB0] =	sst s5  }
0xe: {  	[smem:$0x3FB1] =	sst s6  }
0xf: {  	[smem:$0x3FB2] =	sst s7  }
0x10: {  	[smem:$0x3FB3] =	sst s8  }
0x11: {  	[smem:$0x3FB4] =	sst s9;
	s0 =	simm.s32 @!p0 $0x0  }
0x12: {  	s1 =	sld [smem:$0x3F9A];
	s0 =	simm.s32 @p0 $0x1  }
0x13: {  	[smem:$0x3FB5] =	sst s0;
	s0 =	simm.s32 @!p1 $0x0  }
0x14: {  	s2 =	sld [smem:$0x3F99];
	s0 =	simm.s32 @p1 $0x1  }
0x15: {  	[smem:$0x3FB6] =	sst s0;
	s0 =	simm.s32 @!p2 $0x0  }
0x16: {  	s3 =	sld [smem:$0x3FDB];
	s0 =	simm.s32 @p2 $0x1  }
0x17: {  	s4 =	simm.s32 $0x1BF5;
	[smem:$0x3FB8] =	sst s0  }
0x18: {  	s0 =	sld [smem:$0x3F9B];
	_ =	swait.ge [sflag:s4], $0x0  }
0x19: {  	s7 =	sld [smem:$0x3F9C]  }
0x1a: {  	s8 =	sadd.s32 $0xFFFFE003, lr  }
0x1b: {  	s9 =	sadd.s32 $0xFFFFFEF7, lr;
	s5 =	simm.s32 $0xFFFFFFFF;
	p2 =	slt.u32 s8, $0xFFFFF086  }
0x1c: {  	p1 =	slt.u32 s9, $0xF7A;
	s5 =	simm.s32 @!p2 $0x0  }
0x1d: {  	s5 =	simm.s32 @p1 $0x1;
	p0 =	seq.s32 s7, s2  }
0x1e: {  	s7 =	smul.u32 @!p0 $0xF7A, s2;
	p2 =	seq.s32 @!p0 s5, $0x0  }
0x1f: {  	s9 =	smul.u32 $0xF7A, s1;
	s8 =	simm.s32 @!p0 $0x1BF5;
	p2 =	por !p2, p0  }
0x20: {  	[sflag:s8] =	ssyncset.s32 @!p0 $0xFFFFF086;
	s6 =	sadd.s32 @!p0 s3, s7;
	s7 =	simm.s32 @!p0 $0x108  }
0x21: {  	s3 =	sadd.s32 s3, s9;
	s6 =	sadd.s32 @!p0 $0x88, s6;
	s7 =	simm.s32 @p2 $0x1082  }
0x22: {  	[simem:s7], [sflag:s8] =	dma.local @!p0 [hbm:s6], $0xF7A  }
0x23: {  	s9 =	sor.u32 $0xD0000000, s2;
	s6 =	simm.s32 $0x108;
	_ =	swait.ge @!p0 [sflag:s8], $0x0  }
0x24: {  	s3 =	sadd.s32 $0x88, s3;
	s6 =	simm.s32 @!p1 $0x1082;
	[sflag:s4] =	ssyncset.s32 $0xFFFFF086  }
0x25: {  	[simem:s6], [sflag:s4] =	dma.local [hbm:s3], $0xF7A  }
0x26: {  	[smem:$0x3F9C] =	sst s1;
	(tag) =	ssettag s2;
	_ =	strace s9  }
0x27: {  	s1 =	sld [smem:$0x3FAC]  }
0x28: {  	s2 =	sld [smem:$0x3FAD]  }
0x29: {  	s4 =	sld [smem:$0x3FAF]  }
0x2a: {  	p0 =	seq.s32 s5, $0x0;
	s5 =	sld [smem:$0x3FB0]  }
0x2b: {  	s6 =	sld [smem:$0x3FB1]  }
0x2c: {  	s7 =	sld [smem:$0x3FB2]  }
0x2d: {  	s3 =	simm.s32 $0x108;
	s8 =	sld [smem:$0x3FB3]  }
0x2e: {  	s3 =	simm.s32 @!p0 $0x1082;
	s9 =	sld [smem:$0x3FB4]  }
0x2f: {  	lr =	sadd.s32 s0, s3;
	s0 =	sld [smem:$0x3FAB]  }
0x30: {  	s3 =	sld [smem:$0x3FAE]  }
0x31: {  	[smem:$0x3FB7] =	sst s10  }
0x32: {  	s10 =	sld [smem:$0x3FB5];
	_ =	sdelay $0x3  }
0x33: {  	p0 =	seq.s32 s10, $0x1;
	s10 =	sld [smem:$0x3FB7];
	_ =	sdelay $0x3  }
0x34: {  	[smem:$0x3FB7] =	sst s10  }
0x35: {  	s10 =	sld [smem:$0x3FB6];
	_ =	sdelay $0x3  }
0x36: {  	p1 =	seq.s32 s10, $0x1;
	s10 =	sld [smem:$0x3FB7];
	_ =	sdelay $0x3  }
0x37: {  	[smem:$0x3FB7] =	sst s10  }
0x38: {  	s10 =	sld [smem:$0x3FB8]  }
0x39: {  	_ = 	snop;
	(pc) =	sbr.ind lr, $3  }
0x3a: {  	_ = 	snop  }
0x3b: {  	_ = 	snop  }
0x3c: {  	p2 =	seq.s32 s10, $0x1;
	s10 =	sld [smem:$0x3FB7]  }
0x3d: {  	_ =	shalt  }
0x3e: {  	_ =	shalt  }
0x3f: {  	_ =	shalt  }
0x40: {  	_ =	shalt  }
0x41: {  	_ =	shalt  }
0x42: {  	_ =	shalt  }
0x43: {  	_ =	shalt  }
0x44: {  	_ =	shalt  }
0x45: {  	_ =	shalt  }
0x46: {  	_ =	shalt  }
0x47: {  	_ =	shalt  }
0x48: {  	_ =	shalt  }
0x49: {  	_ =	shalt  }
0x4a: {  	_ =	shalt  }
0x4b: {  	_ =	shalt  }
0x4c: {  	_ =	shalt  }
0x4d: {  	_ =	shalt  }
0x4e: {  	_ =	shalt  }
0x4f: {  	_ =	shalt  }
0x50: {  	_ =	shalt  }
0x51: {  	_ =	shalt  }
0x52: {  	_ =	shalt  }
0x53: {  	_ =	shalt  }
0x54: {  	_ =	shalt  }
0x55: {  	_ =	shalt  }
0x56: {  	_ =	shalt  }
0x57: {  	_ =	shalt  }
0x58: {  	_ =	shalt  }
0x59: {  	_ =	shalt  }
0x5a: {  	_ =	shalt  }
0x5b: {  	_ =	shalt  }
0x5c: {  	_ =	shalt  }
0x5d: {  	_ =	shalt  }
0x5e: {  	_ =	shalt  }
0x5f: {  	_ =	shalt  }
0x60: {  	_ =	shalt  }
0x61: {  	_ =	shalt  }
0x62: {  	_ =	shalt  }
0x63: {  	_ =	shalt  }
0x64: {  	_ =	shalt  }
0x65: {  	_ =	shalt  }
0x66: {  	_ =	shalt  }
0x67: {  	_ =	shalt  }
0x68: {  	_ =	shalt  }
0x69: {  	_ =	shalt  }
0x6a: {  	_ =	shalt  }
0x6b: {  	_ =	shalt  }
0x6c: {  	_ =	shalt  }
0x6d: {  	_ =	shalt  }
0x6e: {  	_ =	shalt  }
0x6f: {  	_ =	shalt  }
0x70: {  	_ =	shalt  }
0x71: {  	_ =	shalt  }
0x72: {  	_ =	shalt  }
0x73: {  	_ =	shalt  }
0x74: {  	_ =	shalt  }
0x75: {  	_ =	shalt  }
0x76: {  	_ =	shalt  }
0x77: {  	_ =	shalt  }
0x78: {  	_ =	shalt  }
0x79: {  	_ =	shalt  }
0x7a: {  	_ =	shalt  }
0x7b: {  	_ =	shalt  }
0x7c: {  	_ =	shalt  }
0x7d: {  	_ =	shalt  }
0x7e: {  	_ =	shalt  }
0x7f: {  	_ =	shalt  }
0x80: {  	_ =	shalt  }
0x81: {  	_ =	shalt  }
0x82: {  	_ =	shalt  }
0x83: {  	_ =	shalt  }
0x84: {  	_ =	shalt  }
0x85: {  	_ =	shalt  }
0x86: {  	_ =	shalt  }
0x87: {  	_ =	shalt  }
.Lfunc_end0:
.L_simem_size_0:
called_computation_lowered:
.L_overlay_start_0:
0x88: {  	s2 =	sld [smem:$0x3FD9]  }
0x89: {  	s3 =	sld [smem:$0x3FFE];
	_ =	sdelay $0x1  }
0x8a: {  	s1 =	srdreg.scid  }
0x8b: {  	s0 =	sand.u32 $0x1, s1  }
0x8c: {  	s17 =	sshll.u32 s0, $0xA;
	s2 =	sadd.s32 s3, s2  }
0x8d: {  	s2 =	sadd.s32 s2, s17  }
0x8e: {  	[smem:$0x3FC3] =	sst s2  }
0x8f: {  	_ = 	snop  }
0x90: {  	s2 =	sld [smem:$0x3FD0];
	(tm) =	ssettm $0x1  }
0x91: {  	s18 =	sld [smem:$0x3FFB];
	_ =	sdelay $0x3  }
0x92: {  	_ =	strace s18  }
0x93: {  	s3 =	sld [smem:$0x3FFC];
	_ =	sdelay $0x3  }
0x94: {  	_ =	strace s3  }
0x95: {  	s3 =	sld [smem:$0x3FFD];
	_ =	sdelay $0x3  }
0x96: {  	_ =	strace s3  }
0x97: {  	_ =	strace $0x8FFFFFFF  }
0x98: {  	s19 =	sld [smem:$0x3FDB];
	_ =	sdelay $0x1  }
0x99: {  	s4 =	simm.s32 $_scs_section_size  }
0x9a: {  	s5 =	simm.s32 $_size__tile_overlayer_lowered;
	s6 =	simm.s32 $_tile_overlayer_lowered  }
0x9b: {  	s22 =	simm.s32 $0x1BFF;
	s21 =	sshll.u32 s6, $0x1;
	s3 =	sadd.s32 s4, s19  }
0x9c: {  	s7 =	simm.s32 $0x0;
	s20 =	sshll.u32 s5, $0x1;
	s5 =	sadd.s32 s21, s3  }
0x9d: {  	[timem:s7], [sflag:s22] =	dma.local [hbm:s5], s20  }
0x9e: {  	_ =	swait.ge [sflag:s22], s20  }
0x9f: {  	s4 =	ssub.s32 $0x0, s20;
	[sflag:s22] =	ssyncset.done $0x0  }
0xa0: {  	[sflag:s22] =	ssyncadd.s32 s4;
	_ =	sdelay $0x1  }
0xa1: {  	s23 =	simm.s32 $0x1B8B  }
0xa2: {  	_ =	swait.ge [sflag:s23], $0x1  }
0xa3: {  	[sflag:s23] =	ssyncset.done $0x0  }
0xa4: {  	s25 =	simm.s32 $0x1B8E;
	s24 =	sld [smem:$0x3FFE];
	[sflag:s23] =	ssyncadd.s32 $0xFFFFFFFF  }
0xa5: {  	s26 =	simm.s32 $execute0_lowered;
	[smem:$0x3FD2] =	sst s25  }
0xa6: {  	s5 =	sshll.u32 s26, $0x1;
	_ =	strace $0x80000046;
	[dreg:$0x1] =	wrdreg $0xFFFFFFFF  }
0xa7: {  	s28 =	simm.s32 $_size_execute0_lowered;
	s3 =	sadd.s32 s3, s5;
	[dreg:$0x0] =	wrdreg $0x0  }
0xa8: {  	s5 =	sshll.u32 s28, $0x1;
	[dreg:$0x2] =	wrdreg s3  }
0xa9: {  	[dreg:$0x3] =	wrdreg s5  }
0xaa: {  	[dreg:$0x4] =	wrdreg $0xC0  }
0xab: {  	_ =	task [dreg:s7], $0x5FFFF  }
0xac: {  	[dreg:$0x1] =	wrdreg $0xFFFFFFFF  }
0xad: {  	[dreg:$0x0] =	wrdreg $0x60  }
0xae: {  	[dreg:$0x2] =	wrdreg s2  }
0xaf: {  	[dreg:$0x3] =	wrdreg s24  }
0xb0: {  	[dreg:$0x4] =	wrdreg $0x0  }
0xb1: {  	[dreg:$0x5] =	wrdreg $0x9  }
0xb2: {  	_ =	task.clear_ibuf [dreg:s7], $0x6FFFF;
	_ =	strace $0x90000046  }
0xb3: {  	s29 =	simm.s32 $0x9;
	_ =	strace $0x80000048  }
0xb4: {  	_ =	swait.ge [sflag:s29], $0x1  }
0xb5: {  	[sflag:s29] =	ssyncadd.s32 $0xFFFFFFFF  }
0xb6: {  	_ =	strace $0x90000048  }
0xb7: {  	_ =	sfence  }
0xb8: {  	s30 =	sld [smem:$0x0];
	_ =	sdelay $0x2  }
0xb9: {  	s31 =	sshll.u32 s1, $0xD;
	s1 =	sshrl.u32 s1, $0x2  }
0xba: {  	s3 =	sand.u32 $0x4000, s31;
	s1 =	sadd.s32 s1, s30  }
0xbb: {  	s0 =	sor.u32 s3, s0;
	s1 =	sshll.u32 s1, $0x11  }
0xbc: {  	s0 =	sor.u32 s1, s0  }
0xbd: {  	s0 =	sadd.s32 $0x8F2B, s0  }
0xbe: {  	[sflag:s0] =	ssyncadd.remote.s32 $0x1  }
0xbf: {  	_ =	sfence.sel $0xFFFF  }
0xc0: {  	[dreg:$0x0] =	wrdreg $0xFFFFFFFF;
	(pc) =	sbr.abs _section_cstart, $3  }
0xc1: {  	[dreg:$0x1] =	wrdreg $0xFFFFFFFF  }
0xc2: {  	_ =	task.clear_ibuf [dreg:s7], $0x2FFFF;
	_ =	strace $0x9FFFFFFF  }
0xc3: {  	(tm) =	ssettm $0x7FFFFFFF  }
tec
execute0_lowered:
.L_overlay_start_1:
0x0: {  	(tag) =	ssettag $0x1  }
0x1: {  	s0 =	rddreg [dreg:$0x0]  }
0x2: {  	s1 =	rddreg [dreg:$0x1]  }
0x3: {  	s2 =	srdreg.scid;
	s3 =	rddreg [dreg:$0x2];
	s7 =	simm.s32 $0x0  }
0x4: {  	s17 =	simm.s32 $0x4;
	s18 =	simm.s32 $0x50;
	s20 =	simm.s32 $0x1AC00  }
0x5: {  	s28 =	simm.s32 $0x3;
	s29 =	simm.s32 $0x18180;
	s4 =	sand.u32 $0x1, s2  }
0x6: {  	s30 =	simm.s32 $0x18200;
	s2 =	stileid.u32;
	s5 =	smul.u32 $0x13C000, s4  }
0x7: {  	s31 =	simm.s32 $0x0;
	[smem:$0x7FF] =	sst s7;
	s6 =	smul.u32 $0x13C00, s2  }
0x8: {  	_ =	strace $0x80000047;
	s22 =	sshll.u32 s4, $0xB;
	s24 =	smul.u32 $0x4F000, s2  }
0x9: {  	s4 =	ssub.s32 $0x2, s4;
	s25 =	sshll.u32 s2, $0xC;
	s23 =	sadd.s32 s22, s1  }
0xa: {  	s8 =	sshrl.u32 s4, $0x1;
	s22 =	simm.s32 $0x1D400;
	s5 =	sadd.s32 s6, s5  }
0xb: {  	s26 =	sshrl.u32 s24, $0x2;
	s4 =	ssub.s32 s4, s8;
	s24 =	simm.s32 $0x17C00  }
0xc: {  	s5 =	sshrl.u32 s5, $0x3;
	s6 =	sadd.s32 s26, s3;
	s15 =	smax.u32 s4, $0x1  }
.Ltmp0:
0xd: {  	s26 =	simm.s32 $0x2;
	s1 =	sadd.s32 s5, s1;
	(pc) =	sbr.rel .LBB2_1-.Ltmp0, $4  }
0xe: {  	s5 =	sadd.s32 s25, s23;
	s7 =	sadd.s32 $0x2800, s6;
	s8 =	sadd.s32 $0x5000, s6  }
0xf: {  	s9 =	sadd.s32 $0x7800, s6;
	s10 =	sadd.s32 $0xA000, s6;
	s11 =	sadd.s32 $0xC800, s6  }
0x10: {  	s12 =	sadd.s32 $0xF000, s6;
	s13 =	sadd.s32 $0x11800, s6;
	s23 =	simm.s32 $0x18400  }
0x11: {  	v0 =	vimm.f32 $0.0e+00;
	s25 =	simm.s32 $0x1;
	s5 =	sadd.s32 $0x1200, s5;
	s14 =	sadd.s32 $0x11200, s1  }
.LBB2_6:
0x12: {  	_ =	swait.ge [sflag:s25], $0x2800  }
0x13: {  	[sflag:s25] =	ssyncset.done $0x0  }
0x14: {  	[sflag:s25] =	ssyncadd.s32 $0xFFFFD800  }
0x15: {  	[spmem:s3] =	stream.indirect.scatter.add.f32 [tilespmem:s23], [sflag:$0x4], $0x80, s29, s18, $0xb8;
	[tilespmem:$0x1FC00] =	vst v63  }
0x16: {  	_ =	swait.ge [sflag:s17], $0x2800  }
0x17: {  	[sflag:s17] =	ssyncset.done $0x0  }
0x18: {  	[sflag:s17] =	ssyncadd.s32 $0xFFFFD800  }
0x19: {  	_ =	swait.ge [sflag:s26], $0x2800  }
0x1a: {  	[sflag:s26] =	ssyncset.done $0x0  }
0x1b: {  	[sflag:s26] =	ssyncadd.s32 $0xFFFFD800  }
0x1c: {  	[spmem:s3] =	stream.indirect.scatter.add.f32 [tilespmem:s20], [sflag:$0x4], $0x80, s30, s18, $0xb8;
	[tilespmem:$0x1FC00] =	vst v63  }
0x1d: {  	_ =	swait.ge [sflag:s17], $0x2800  }
0x1e: {  	s1 =	sshll.u32 s2, $0x6;
	s31 =	sadd.s32 $0x1, s31;
	[sflag:s17] =	ssyncset.done $0x0  }
0x1f: {  	s4 =	sshrl.u32 s6, $0x3;
	p0 =	sne.s32 s31, s15;
	[sflag:s17] =	ssyncadd.s32 $0xFFFFD800  }
.Ltmp1:
0x20: {  	s1 =	sor.u32 $0x1C04, s1;
	[bflag:$0x0] =	sbarrier.arrive $0xFFFF;
	(pc) =	sbr.rel @!p0 .LBB2_7-.Ltmp1, $4  }
0x21: {  	[hbm:s14], [sflag:s1] =	dma.local [spmem:s4], $0x2780  }
0x22: {  	_ =	swait.ge [sflag:s17], $0x2780  }
0x23: {  	[sflag:s17] =	ssyncset.done $0x0  }
0x24: {  	[sflag:s17] =	ssyncadd.s32 $0xFFFFD880  }
.LBB2_1:
0x25: {  	s1 =	simm.s32 $0x0;
	s4 =	simm.s32 $0x13C00  }
0x26: {  	[tilespmem:s4], [sflag:$0x4] =	stream.linear.gather [hbm4b:s5+s1], $0x3E80, $0x38;
	[tilespmem:$0x1FC00] =	vst v63  }
0x27: {  	_ =	swait.ge [sflag:s17], $0x3E80  }
0x28: {  	[sflag:s17] =	ssyncset.done $0x0  }
0x29: {  	[sflag:s17] =	ssyncadd.s32 $0xFFFFC180  }
0x2a: {  	v1 =	vld [tilespmem:$0x13C00];
	_ =	sdelay $0x1  }
0x2b: {  	v2 =	vld [tilespmem:$0x13C10];
	_ =	sdelay $0x1  }
0x2c: {  	v3 =	vld [tilespmem:$0x13C20]  }
0x2d: {  	v4 =	vand.u32 $0xFFFF, v1  }
0x2e: {  	v58 =	vld [tilespmem:$0x13C30];
	v1 =	vshrl.u32 v1, $0x10;
	[tilespmem:$0x17C00] =	vst v4  }
0x2f: {  	[tilespmem:$0x18000] =	vst v1;
	v1 =	vand.u32 $0xFFFF, v2  }
0x30: {  	[tilespmem:$0x17C10] =	vst v1;
	v1 =	vshrl.u32 v2, $0x10;
	v2 =	vld [tilespmem:$0x13C40]  }
0x31: {  	[tilespmem:$0x18010] =	vst v1;
	v1 =	vand.u32 $0xFFFF, v3  }
0x32: {  	[tilespmem:$0x17C20] =	vst v1;
	v1 =	vshrl.u32 v3, $0x10;
	v3 =	vld [tilespmem:$0x13C80]  }
0x33: {  	[tilespmem:$0x18020] =	vst v1;
	v1 =	vand.u32 $0xFFFF, v58  }
0x34: {  	v59 =	vld [tilespmem:$0x13C90];
	[tilespmem:$0x17C30] =	vst v1;
	v1 =	vshrl.u32 v58, $0x10  }
0x35: {  	[tilespmem:$0x18030] =	vst v1;
	v1 =	vand.u32 $0xFFFF, v2  }
0x36: {  	[tilespmem:$0x17C40] =	vst v1;
	v1 =	vshrl.u32 v2, $0x10;
	v2 =	vld [tilespmem:$0x13CA0]  }
0x37: {  	[tilespmem:$0x18040] =	vst v1;
	v1 =	vand.u32 $0xFFFF, v3  }
0x38: {  	[tilespmem:$0x17C80] =	vst v1;
	v1 =	vshrl.u32 v3, $0x10;
	v3 =	vld [tilespmem:$0x13CB0]  }
0x39: {  	[tilespmem:$0x18080] =	vst v1;
	v1 =	vand.u32 $0xFFFF, v59  }
0x3a: {  	v60 =	vld [tilespmem:$0x13CC0];
	[tilespmem:$0x17C90] =	vst v1;
	v1 =	vshrl.u32 v59, $0x10  }
0x3b: {  	[tilespmem:$0x18090] =	vst v1;
	v1 =	vand.u32 $0xFFFF, v2  }
0x3c: {  	[tilespmem:$0x17CA0] =	vst v1;
	v1 =	vshrl.u32 v2, $0x10;
	v2 =	vld [tilespmem:$0x13D00]  }
0x3d: {  	[tilespmem:$0x180A0] =	vst v1;
	v1 =	vand.u32 $0xFFFF, v3  }
0x3e: {  	[tilespmem:$0x17CB0] =	vst v1;
	v1 =	vshrl.u32 v3, $0x10;
	v3 =	vld [tilespmem:$0x13D10]  }
0x3f: {  	[tilespmem:$0x180B0] =	vst v1;
	v1 =	vand.u32 $0xFFFF, v60  }
0x40: {  	v61 =	vld [tilespmem:$0x13D20];
	[tilespmem:$0x17CC0] =	vst v1;
	v1 =	vshrl.u32 v60, $0x10  }
0x41: {  	[tilespmem:$0x180C0] =	vst v1;
	v1 =	vand.u32 $0xFFFF, v2  }
0x42: {  	[tilespmem:$0x17D00] =	vst v1;
	v1 =	vshrl.u32 v2, $0x10;
	v2 =	vld [tilespmem:$0x13D30]  }
0x43: {  	[tilespmem:$0x18100] =	vst v1;
	v1 =	vand.u32 $0xFFFF, v3  }
0x44: {  	[tilespmem:$0x17D10] =	vst v1;
	v1 =	vshrl.u32 v3, $0x10;
	v3 =	vld [tilespmem:$0x13D40]  }
0x45: {  	[tilespmem:$0x18110] =	vst v1;
	v1 =	vand.u32 $0xFFFF, v61  }
0x46: {  	v62 =	vld [tilespmem:$0x13D80];
	[tilespmem:$0x17D20] =	vst v1;
	v1 =	vshrl.u32 v61, $0x10  }
0x47: {  	[tilespmem:$0x18120] =	vst v1;
	v1 =	vand.u32 $0xFFFF, v2  }
0x48: {  	[tilespmem:$0x17D30] =	vst v1;
	v1 =	vshrl.u32 v2, $0x10;
	v2 =	vld [tilespmem:$0x13D90]  }
0x49: {  	[tilespmem:$0x18130] =	vst v1;
	v1 =	vand.u32 $0xFFFF, v3  }
0x4a: {  	[tilespmem:$0x17D40] =	vst v1;
	v1 =	vshrl.u32 v3, $0x10;
	v3 =	vld [tilespmem:$0x13DA0]  }
0x4b: {  	[tilespmem:$0x18140] =	vst v1;
	v1 =	vand.u32 $0xFFFF, v62  }
0x4c: {  	v63 =	vld [tilespmem:$0x13DB0];
	[tilespmem:$0x17D80] =	vst v1;
	v1 =	vshrl.u32 v62, $0x10  }
0x4d: {  	[tilespmem:$0x18180] =	vst v1;
	v1 =	vand.u32 $0xFFFF, v2  }
0x4e: {  	[tilespmem:$0x17D90] =	vst v1;
	v1 =	vshrl.u32 v2, $0x10;
	v2 =	vld [tilespmem:$0x13DC0]  }
0x4f: {  	[tilespmem:$0x18190] =	vst v1;
	v1 =	vand.u32 $0xFFFF, v3  }
0x50: {  	[tilespmem:$0x17DA0] =	vst v1;
	v1 =	vshrl.u32 v3, $0x10  }
0x51: {  	[tilespmem:$0x181A0] =	vst v1;
	v1 =	vand.u32 $0xFFFF, v63  }
0x52: {  	[tilespmem:$0x17DB0] =	vst v1;
	v1 =	vshrl.u32 v63, $0x10  }
0x53: {  	[tilespmem:$0x181B0] =	vst v1;
	v1 =	vand.u32 $0xFFFF, v2  }
0x54: {  	[tilespmem:$0x17DC0] =	vst v1;
	v1 =	vshrl.u32 v2, $0x10  }
0x55: {  	s19 =	simm.s32 $0x17C80;
	[tilespmem:$0x181C0] =	vst v1  }
0x56: {  	[tilespmem:s20], [sflag:$0x2] =	stream.indirect.gather [hbm4b:s0+s18], $0x80, s19, s18, $0xb8;
	[tilespmem:$0x1FC00] =	vst v63  }
0x57: {  	s21 =	simm.s32 $0x17D00;
	s1 =	simm.s32 $0x0;
	s4 =	simm.s32 $0x200  }
0x58: {  	[tilespmem:s22], [sflag:$0x3] =	stream.indirect.gather [hbm4b:s0+s18], $0x80, s21, s18, $0xb8;
	[tilespmem:$0x1FC00] =	vst v63  }
.LBB2_2:
0x59: {  	p0 =	sne.s32 s4, $0x9E00;
	[tilespmem:s1+$0x18470] =	vst v0  }
0x5a: {  	[tilespmem:s1+$0x18400] =	vst v0  }
0x5b: {  	[tilespmem:s1+$0x18410] =	vst v0  }
.Ltmp2:
0x5c: {  	[tilespmem:s1+$0x18420] =	vst v0;
	(pc) =	sbr.rel @p0 .LBB2_2-.Ltmp2, $4  }
0x5d: {  	[tilespmem:s1+$0x18430] =	vst v0  }
0x5e: {  	[tilespmem:s1+$0x18440] =	vst v0  }
0x5f: {  	[tilespmem:s1+$0x18450] =	vst v0  }
0x60: {  	[tilespmem:s1+$0x18460] =	vst v0;
	s1 =	sshra.s32 s4, $0x2;
	s4 =	sadd.s32 $0x200, s4  }
0x61: {  	[tilespmem:s1+$0x18470] =	vst v0  }
0x62: {  	[tilespmem:s1+$0x18400] =	vst v0  }
0x63: {  	[tilespmem:s1+$0x18410] =	vst v0  }
0x64: {  	[tilespmem:s1+$0x18420] =	vst v0  }
0x65: {  	[tilespmem:s1+$0x18430] =	vst v0  }
0x66: {  	[tilespmem:s1+$0x18440] =	vst v0  }
0x67: {  	[tilespmem:s1+$0x18450] =	vst v0  }
0x68: {  	[tilespmem:s1+$0x18460] =	vst v0  }
0x69: {  	[spmem:s6] =	stream.linear.scatter [tilespmem:s23], [sflag:$0x4], $0x2800, $0x38;
	[tilespmem:$0x1FC00] =	vst v63  }
0x6a: {  	_ =	swait.ge [sflag:s17], $0x2800  }
0x6b: {  	[sflag:s17] =	ssyncset.done $0x0  }
0x6c: {  	[sflag:s17] =	ssyncadd.s32 $0xFFFFD800  }
0x6d: {  	[spmem:s7] =	stream.linear.scatter [tilespmem:s23], [sflag:$0x4], $0x2800, $0x38;
	[tilespmem:$0x1FC00] =	vst v63  }
0x6e: {  	_ =	swait.ge [sflag:s17], $0x2800  }
0x6f: {  	[sflag:s17] =	ssyncset.done $0x0  }
0x70: {  	[sflag:s17] =	ssyncadd.s32 $0xFFFFD800  }
0x71: {  	[spmem:s8] =	stream.linear.scatter [tilespmem:s23], [sflag:$0x4], $0x2800, $0x38;
	[tilespmem:$0x1FC00] =	vst v63  }
0x72: {  	_ =	swait.ge [sflag:s17], $0x2800  }
0x73: {  	[sflag:s17] =	ssyncset.done $0x0  }
0x74: {  	[sflag:s17] =	ssyncadd.s32 $0xFFFFD800  }
0x75: {  	[spmem:s9] =	stream.linear.scatter [tilespmem:s23], [sflag:$0x4], $0x2800, $0x38;
	[tilespmem:$0x1FC00] =	vst v63  }
0x76: {  	_ =	swait.ge [sflag:s17], $0x2800  }
0x77: {  	[sflag:s17] =	ssyncset.done $0x0  }
0x78: {  	[sflag:s17] =	ssyncadd.s32 $0xFFFFD800  }
0x79: {  	[spmem:s10] =	stream.linear.scatter [tilespmem:s23], [sflag:$0x4], $0x2800, $0x38;
	[tilespmem:$0x1FC00] =	vst v63  }
0x7a: {  	_ =	swait.ge [sflag:s17], $0x2800  }
0x7b: {  	[sflag:s17] =	ssyncset.done $0x0  }
0x7c: {  	[sflag:s17] =	ssyncadd.s32 $0xFFFFD800  }
0x7d: {  	[spmem:s11] =	stream.linear.scatter [tilespmem:s23], [sflag:$0x4], $0x2800, $0x38;
	[tilespmem:$0x1FC00] =	vst v63  }
0x7e: {  	_ =	swait.ge [sflag:s17], $0x2800  }
0x7f: {  	[sflag:s17] =	ssyncset.done $0x0  }
0x80: {  	[sflag:s17] =	ssyncadd.s32 $0xFFFFD800  }
0x81: {  	[spmem:s12] =	stream.linear.scatter [tilespmem:s23], [sflag:$0x4], $0x2800, $0x38;
	[tilespmem:$0x1FC00] =	vst v63  }
0x82: {  	_ =	swait.ge [sflag:s17], $0x2800  }
0x83: {  	[sflag:s17] =	ssyncset.done $0x0  }
0x84: {  	[sflag:s17] =	ssyncadd.s32 $0xFFFFD800  }
0x85: {  	[spmem:s13] =	stream.linear.scatter [tilespmem:s23], [sflag:$0x4], $0x2400, $0x38;
	[tilespmem:$0x1FC00] =	vst v63  }
0x86: {  	_ =	swait.ge [sflag:s17], $0x2400  }
0x87: {  	[sflag:s17] =	ssyncset.done $0x0  }
0x88: {  	[sflag:s17] =	ssyncadd.s32 $0xFFFFDC00  }
0x89: {  	[tilespmem:s23], [sflag:$0x1] =	stream.indirect.gather [hbm4b:s0+s18], $0x80, s24, s18, $0xb8;
	[tilespmem:$0x1FC00] =	vst v63  }
0x8a: {  	s1 =	simm.s32 $0x300;
	s4 =	simm.s32 $0x13F40;
	[bflag:$0x0] =	sbarrier.arrive $0xFFFF  }
.LBB2_4:
0x8b: {  	_ =	swait.ge [sflag:s25], $0x2800;
	s16 =	sadd.s32 $0xFFFFFD00, s1  }
0x8c: {  	[sflag:s25] =	ssyncset.done $0x0;
	s16 =	sand.u32 $0x380, s16  }
0x8d: {  	[sflag:s25] =	ssyncadd.s32 $0xFFFFD800;
	s19 =	sor.u32 $0x18000, s16  }
0x8e: {  	[spmem:s3] =	stream.indirect.scatter.add.f32 [tilespmem:s23], [sflag:$0x4], $0x80, s19, s18, $0xb8;
	[tilespmem:$0x1FC00] =	vst v63  }
0x8f: {  	_ =	swait.ge [sflag:s17], $0x2800  }
0x90: {  	[sflag:s17] =	ssyncset.done $0x0  }
0x91: {  	[sflag:s17] =	ssyncadd.s32 $0xFFFFD800  }
0x92: {  	v1 =	vld [tilespmem:s4+$0xFFFFFEC0];
	_ =	sdelay $0x3  }
0x93: {  	s21 =	sadd.s32 $0xFFFFFF00, s1  }
0x94: {  	s19 =	sand.u32 $0x380, s21;
	v2 =	vand.u32 $0xFFFF, v1  }
0x95: {  	v1 =	vshrl.u32 v1, $0x10;
	[tilespmem:s19+$0x17C00] =	vst v2  }
0x96: {  	[tilespmem:s19+$0x18000] =	vst v1  }
0x97: {  	v1 =	vld [tilespmem:s4+$0xFFFFFED0];
	_ =	sdelay $0x4  }
0x98: {  	v2 =	vand.u32 $0xFFFF, v1  }
0x99: {  	v1 =	vshrl.u32 v1, $0x10;
	[tilespmem:s19+$0x17C10] =	vst v2  }
0x9a: {  	[tilespmem:s19+$0x18010] =	vst v1  }
0x9b: {  	v1 =	vld [tilespmem:s4+$0xFFFFFEE0];
	_ =	sdelay $0x4  }
0x9c: {  	v2 =	vand.u32 $0xFFFF, v1  }
0x9d: {  	v1 =	vshrl.u32 v1, $0x10;
	[tilespmem:s19+$0x17C20] =	vst v2  }
0x9e: {  	[tilespmem:s19+$0x18020] =	vst v1  }
0x9f: {  	v1 =	vld [tilespmem:s4+$0xFFFFFEF0];
	_ =	sdelay $0x4  }
0xa0: {  	v2 =	vand.u32 $0xFFFF, v1  }
0xa1: {  	v1 =	vshrl.u32 v1, $0x10;
	[tilespmem:s19+$0x17C30] =	vst v2  }
0xa2: {  	[tilespmem:s19+$0x18030] =	vst v1  }
0xa3: {  	v1 =	vld [tilespmem:s4+$0xFFFFFF00];
	_ =	sdelay $0x4  }
0xa4: {  	s21 =	sadd.s32 $0xFFFFFE80, s1;
	v2 =	vand.u32 $0xFFFF, v1  }
0xa5: {  	s21 =	sand.u32 $0x380, s21;
	v1 =	vshrl.u32 v1, $0x10;
	[tilespmem:s19+$0x17C40] =	vst v2  }
0xa6: {  	s21 =	sor.u32 $0x17C00, s21;
	[tilespmem:s19+$0x18040] =	vst v1  }
0xa7: {  	[tilespmem:s23], [sflag:$0x1] =	stream.indirect.gather [hbm4b:s0+s18], $0x80, s21, s18, $0xb8;
	[tilespmem:$0x1FC00] =	vst v63  }
0xa8: {  	s21 =	sadd.s32 $0xFFFFFD80, s1;
	_ =	swait.ge [sflag:s26], $0x2800  }
0xa9: {  	s19 =	sand.u32 $0x380, s21;
	[sflag:s26] =	ssyncset.done $0x0  }
0xaa: {  	s19 =	sor.u32 $0x18000, s19;
	[sflag:s26] =	ssyncadd.s32 $0xFFFFD800  }
0xab: {  	[spmem:s3] =	stream.indirect.scatter.add.f32 [tilespmem:s20], [sflag:$0x4], $0x80, s19, s18, $0xb8;
	[tilespmem:$0x1FC00] =	vst v63  }
0xac: {  	_ =	swait.ge [sflag:s17], $0x2800  }
0xad: {  	[sflag:s17] =	ssyncset.done $0x0  }
0xae: {  	p0 =	seq.s32 s1, $0x3F00;
	[sflag:s17] =	ssyncadd.s32 $0xFFFFD800  }
0xaf: {  	v1 =	vld @!p0 [tilespmem:s4+$0xFFFFFF40];
	_ =	sdelay $0x3  }
0xb0: {  	s19 =	sadd.s32 @!p0 $0xFFFFFF80, s1  }
0xb1: {  	s19 =	sand.u32 @!p0 $0x380, s19;
	v2 =	vand.u32 @!p0 $0xFFFF, v1  }
0xb2: {  	v1 =	vshrl.u32 @!p0 v1, $0x10;
	[tilespmem:s19+$0x17C00] =	vst @!p0 v2  }
0xb3: {  	[tilespmem:s19+$0x18000] =	vst @!p0 v1  }
0xb4: {  	v1 =	vld @!p0 [tilespmem:s4+$0xFFFFFF50];
	_ =	sdelay $0x4  }
0xb5: {  	v2 =	vand.u32 @!p0 $0xFFFF, v1  }
0xb6: {  	v1 =	vshrl.u32 @!p0 v1, $0x10;
	[tilespmem:s19+$0x17C10] =	vst @!p0 v2  }
0xb7: {  	[tilespmem:s19+$0x18010] =	vst @!p0 v1  }
0xb8: {  	v1 =	vld @!p0 [tilespmem:s4+$0xFFFFFF60];
	_ =	sdelay $0x4  }
0xb9: {  	v2 =	vand.u32 @!p0 $0xFFFF, v1  }
0xba: {  	v1 =	vshrl.u32 @!p0 v1, $0x10;
	[tilespmem:s19+$0x17C20] =	vst @!p0 v2  }
0xbb: {  	[tilespmem:s19+$0x18020] =	vst @!p0 v1  }
0xbc: {  	v1 =	vld @!p0 [tilespmem:s4+$0xFFFFFF70];
	_ =	sdelay $0x4  }
0xbd: {  	v2 =	vand.u32 @!p0 $0xFFFF, v1  }
0xbe: {  	v1 =	vshrl.u32 @!p0 v1, $0x10;
	[tilespmem:s19+$0x17C30] =	vst @!p0 v2  }
0xbf: {  	[tilespmem:s19+$0x18030] =	vst @!p0 v1  }
0xc0: {  	v1 =	vld @!p0 [tilespmem:s4+$0xFFFFFF80];
	_ =	sdelay $0x4  }
0xc1: {  	v2 =	vand.u32 @!p0 $0xFFFF, v1  }
0xc2: {  	s16 =	sxor.u32 $0x200, s16;
	v1 =	vshrl.u32 @!p0 v1, $0x10;
	[tilespmem:s19+$0x17C40] =	vst @!p0 v2  }
0xc3: {  	s16 =	sor.u32 $0x17C00, s16;
	[tilespmem:s19+$0x18040] =	vst @!p0 v1  }
0xc4: {  	[tilespmem:s20], [sflag:$0x2] =	stream.indirect.gather [hbm4b:s0+s18], $0x80, s16, s18, $0xb8;
	[tilespmem:$0x1FC00] =	vst v63  }
0xc5: {  	s21 =	sadd.s32 $0xFFFFFE00, s1;
	_ =	swait.ge [sflag:s28], $0x2800  }
0xc6: {  	s16 =	sand.u32 $0x380, s21;
	[sflag:s28] =	ssyncset.done $0x0  }
.Ltmp3:
0xc7: {  	s16 =	sor.u32 $0x18000, s16;
	[sflag:s28] =	ssyncadd.s32 $0xFFFFD800;
	(pc) =	sbr.rel @p0 .LBB2_6-.Ltmp3, $4  }
0xc8: {  	[spmem:s3] =	stream.indirect.scatter.add.f32 [tilespmem:s22], [sflag:$0x4], $0x80, s16, s18, $0xb8;
	[tilespmem:$0x1FC00] =	vst v63  }
0xc9: {  	_ =	swait.ge [sflag:s17], $0x2800  }
0xca: {  	[sflag:s17] =	ssyncset.done $0x0  }
0xcb: {  	[sflag:s17] =	ssyncadd.s32 $0xFFFFD800  }
0xcc: {  	v1 =	vld [tilespmem:s4+$0xFFFFFFC0];
	_ =	sdelay $0x4  }
0xcd: {  	s16 =	sand.u32 $0x380, s1;
	v2 =	vand.u32 $0xFFFF, v1  }
0xce: {  	v1 =	vshrl.u32 v1, $0x10;
	[tilespmem:s16+$0x17C00] =	vst v2  }
0xcf: {  	[tilespmem:s16+$0x18000] =	vst v1  }
0xd0: {  	v1 =	vld [tilespmem:s4+$0xFFFFFFD0];
	_ =	sdelay $0x4  }
0xd1: {  	v2 =	vand.u32 $0xFFFF, v1  }
0xd2: {  	v1 =	vshrl.u32 v1, $0x10;
	[tilespmem:s16+$0x17C10] =	vst v2  }
0xd3: {  	[tilespmem:s16+$0x18010] =	vst v1  }
0xd4: {  	v1 =	vld [tilespmem:s4+$0xFFFFFFE0];
	_ =	sdelay $0x4  }
0xd5: {  	v2 =	vand.u32 $0xFFFF, v1  }
0xd6: {  	v1 =	vshrl.u32 v1, $0x10;
	[tilespmem:s16+$0x17C20] =	vst v2  }
0xd7: {  	[tilespmem:s16+$0x18020] =	vst v1  }
0xd8: {  	v1 =	vld [tilespmem:s4+$0xFFFFFFF0];
	_ =	sdelay $0x4  }
0xd9: {  	v2 =	vand.u32 $0xFFFF, v1  }
0xda: {  	v1 =	vshrl.u32 v1, $0x10;
	[tilespmem:s16+$0x17C30] =	vst v2  }
0xdb: {  	[tilespmem:s16+$0x18030] =	vst v1  }
0xdc: {  	v1 =	vld [tilespmem:s4+$0x0];
	_ =	sdelay $0x3  }
.Ltmp4:
0xdd: {  	_ = 	snop;
	(pc) =	sbr.rel .LBB2_4-.Ltmp4, $4  }
0xde: {  	s19 =	sadd.s32 $0xFFFFFF80, s1;
	v2 =	vand.u32 $0xFFFF, v1  }
0xdf: {  	s19 =	sand.u32 $0x380, s19;
	v1 =	vshrl.u32 v1, $0x10;
	[tilespmem:s16+$0x17C40] =	vst v2  }
0xe0: {  	s1 =	sadd.s32 $0x180, s1;
	s21 =	sor.u32 $0x17C00, s19;
	s4 =	sadd.s32 $0x180, s4;
	[tilespmem:s16+$0x18040] =	vst v1  }
0xe1: {  	[tilespmem:s22], [sflag:$0x3] =	stream.indirect.gather [hbm4b:s0+s18], $0x80, s21, s18, $0xb8;
	[tilespmem:$0x1FC00] =	vst v63  }
.LBB2_7:
0xe2: {  	_ =	sfence.sel $0x180000  }
0xe3: {  	[bflag:$0x0] =	sbarrier.arrive $0xFFFF  }
0xe4: {  	_ =	strace $0x90000047  }
0xe5: {  	[bflag:$0x2] =	sbarrier.arrive $0xFFFF  }
0xe6: {  	p0 =	sne.s32 s2, $0x0;
	s0 =	rddreg [dreg:$0x3]  }
0xe7: {  	s0 =	sadd.s32 @!p0 $0x100000, s0  }
0xe8: {  	[sflag:s0] =	ssyncadd.tile.s32 @!p0 $0x1;
	_ =	shalt  }
.Lfunc_end2:
_tile_overlayer_lowered:
.L_overlay_start_2:
0xe9: {  	(tag) =	ssettag $0x2  }
0xea: {  	s0 =	rddreg [dreg:$0x0];
	s2 =	stileid.u32  }
0xeb: {  	s1 =	rddreg [dreg:$0x1];
	p0 =	sne.s32 s2, $0x0  }
0xec: {  	s3 =	rddreg [dreg:$0x2];
	[bflag:$0x3] =	sbarrier.arrive $0xFFFF;
	s2 =	simm.s32 @!p0 $0x1C04  }
0xed: {  	[timem:s3], [sflag:s2] =	dma.local @!p0 [hbm:s0], s1  }
0xee: {  	s0 =	simm.s32 @!p0 $0x4  }
0xef: {  	_ =	swait.ge @!p0 [sflag:s0], s1  }
0xf0: {  	s1 =	ssub.s32 @!p0 $0x0, s1;
	[sflag:s0] =	ssyncset.done @!p0 $0x0  }
0xf1: {  	[sflag:s0] =	ssyncadd.s32 @!p0 s1  }
0xf2: {  	[bflag:$0x3] =	sbarrier.arrive $0xFFFF  }
0xf3: {  	_ =	shalt  }

</sc_bundles>
